<compile_context>
chip_gen: v7x
topology: tpu7x:2x2x1
jax: 0.10.2.dev20260603
libtpu: 0.0.44.dev20260713+nightly
codegen_flags: <defaults>
</compile_context>

<pallas_src>
import functools

import jax
import jax.numpy as jnp
from jax import lax
from jax.experimental import pallas as pl
from jax.experimental.pallas import tpu as pltpu
from jax.experimental.pallas import tpu_sc as plsc

N = 10000
E = 320000
D = 128

NC = 2
NS = 16
L = 128

N_PAD = 10112
ROWS_N = N_PAD // NS

E_PAD = 323584
PAD = E_PAD - E
EDGE_ROWS = E_PAD // L
RPW = EDGE_ROWS // (NC * NS)
RPS = EDGE_ROWS // NS

BLK_MID = 1264
BLK_FIN = 1000



_mesh = plsc.VectorSubcoreMesh(core_axis_name="c", subcore_axis_name="s",
                               num_cores=NC, num_subcores=NS)


@functools.partial(
    pl.kernel,
    out_type=jax.ShapeDtypeStruct((NC, N_PAD, D), jnp.float32),
    mesh=_mesh,
    scratch_types=[
        pltpu.VMEM_SHARED((N_PAD, D), jnp.float32),
        pltpu.VMEM((L,), jnp.int32),
        pltpu.VMEM((L,), jnp.int32),
        pltpu.VMEM((L, D), jnp.float32),
        pltpu.SemaphoreType.DMA,
    ],
)
def _sc_aggregate(h_hbm, src_hbm, dst_hbm, zeros_hbm, out_hbm,
                  accum, sidx, didx, rows, sem):
    c = lax.axis_index("c")
    s = lax.axis_index("s")
    pltpu.sync_copy(zeros_hbm, accum.at[pl.ds(s * ROWS_N, ROWS_N)])
    plsc.subcore_barrier()
    base = (c * NS + s) * RPW

    def body(t, carry):
        pltpu.sync_copy(src_hbm.at[base + t], sidx)
        pltpu.sync_copy(dst_hbm.at[base + t], didx)
        pltpu.async_copy(h_hbm.at[sidx], rows, sem).wait()
        pltpu.sync_copy(rows, accum.at[didx], add=True)
        return carry

    lax.fori_loop(0, RPW, body, 0)
    plsc.subcore_barrier()
    pltpu.sync_copy(accum.at[pl.ds(s * ROWS_N, ROWS_N)],
                    out_hbm.at[c, pl.ds(s * ROWS_N, ROWS_N)])


@functools.partial(
    pl.kernel,
    out_type=jax.ShapeDtypeStruct((N_PAD, D), jnp.float32),
    mesh=_mesh,
    scratch_types=[
        pltpu.VMEM_SHARED((N_PAD, D), jnp.float32),
        pltpu.VMEM((L,), jnp.int32),
        pltpu.VMEM((L, D), jnp.float32),
        pltpu.SemaphoreType.DMA,
    ],
)
def _sc_count(dst_hbm, ones_hbm, zeros_hbm, out_hbm, accum, didx, ones, sem):
    c = lax.axis_index("c")
    s = lax.axis_index("s")

    @pl.when(c == 0)
    def _():
        pltpu.sync_copy(zeros_hbm, accum.at[pl.ds(s * ROWS_N, ROWS_N)])
        pltpu.sync_copy(ones_hbm, ones)
        plsc.subcore_barrier()
        base = s * RPS

        def body(t, carry):
            pltpu.sync_copy(dst_hbm.at[base + t], didx)
            pltpu.sync_copy(ones, accum.at[didx], add=True)
            return carry

        lax.fori_loop(0, RPS, body, 0)
        plsc.subcore_barrier()
        pltpu.sync_copy(accum.at[pl.ds(s * ROWS_N, ROWS_N)],
                        out_hbm.at[pl.ds(s * ROWS_N, ROWS_N)])



def _dense_body(sums_ref, h_ref, cnt_ref, wl_ref, wr_ref, b_ref, a_ref,
                out_ref):
    rec = 1.0 / jnp.maximum(cnt_ref[:, 0:1], 1.0)
    m = (sums_ref[0] + sums_ref[1]) * rec
    z = (jnp.dot(m, wl_ref[...], preferred_element_type=jnp.float32)
         + jnp.dot(h_ref[...], wr_ref[...], preferred_element_type=jnp.float32)
         + b_ref[0:1, :])
    out_ref[...] = jnp.where(z >= 0, z, a_ref[0:1, :] * z)


def _make_dense(final):
    blk = BLK_FIN if final else BLK_MID
    grid = (N // blk,) if final else (N_PAD // blk,)
    nrows = N if final else N_PAD
    return pl.pallas_call(
        _dense_body,
        grid=grid,
        in_specs=[
            pl.BlockSpec((NC, blk, D), lambda i: (0, i, 0)),
            pl.BlockSpec((blk, D), lambda i: (i, 0)),
            pl.BlockSpec((blk, 8), lambda i: (i, 0)),
            pl.BlockSpec((D, D), lambda i: (0, 0)),
            pl.BlockSpec((D, D), lambda i: (0, 0)),
            pl.BlockSpec((1, D), lambda i: (0, 0)),
            pl.BlockSpec((1, D), lambda i: (0, 0)),
        ],
        out_specs=pl.BlockSpec((blk, D), lambda i: (i, 0)),
        out_shape=jax.ShapeDtypeStruct((nrows, D), jnp.float32),
    )


_dense_mid = _make_dense(False)
_dense_fin = _make_dense(True)



def kernel(x, edge_index, Wl0, Wr0, b0, a0, Wl1, Wr1, b1, a1,
           Wl2, Wr2, b2, a2, Wl3, Wr3, b3, a3):
    ei = edge_index.astype(jnp.int32)
    src = jnp.concatenate([ei[0], jnp.zeros((PAD,), jnp.int32)]).reshape(EDGE_ROWS, L)
    dst = jnp.concatenate([ei[1], jnp.full((PAD,), N, jnp.int32)]).reshape(EDGE_ROWS, L)
    h = jnp.pad(x, ((0, N_PAD - N), (0, 0)))
    zeros_d = jnp.zeros((ROWS_N, D), jnp.float32)
    ones_d = jnp.ones((L, D), jnp.float32)

    cnt = _sc_count(dst, ones_d, zeros_d)[:, 0:8]
    h, cnt = lax.optimization_barrier((h, cnt))

    params = [(Wl0, Wr0, b0, a0), (Wl1, Wr1, b1, a1),
              (Wl2, Wr2, b2, a2), (Wl3, Wr3, b3, a3)]
    for i, (Wl, Wr, b, a) in enumerate(params):
        sums = _sc_aggregate(h, src, dst, zeros_d)
        dense = _dense_fin if i == 3 else _dense_mid
        h = dense(sums, h, cnt, Wl, Wr, b.reshape(1, D), a.reshape(1, D))
    return h

# --- scband reference (transcript-rebuilt; emitter-appended) ---
"""Pipeline reference for scband-encoder-6365141532718 (READ-ONLY COPY).

The authoritative reference and input builder live on the scoring server;
editing this copy changes nothing except your own understanding.
"""

import jax, jax.numpy as jnp
import numpy as np

N_NODES = 10000
N_EDGES = 320000
D_IN = 128
D_H = 128


def setup_inputs(seed: int = 0) -> dict:
    key = jax.random.key(seed)
    ks = jax.random.split(key, 20)
    inp = {}
    inp['x'] = jax.random.normal(ks[0], (N_NODES, D_IN), dtype=jnp.float32)
    inp['edge_index'] = jax.random.randint(ks[1], (2, N_EDGES), 0, N_NODES, dtype=jnp.int64)
    dims = [(D_IN, D_H), (D_H, D_H), (D_H, D_H), (D_H, D_H)]
    for i, (din, dout) in enumerate(dims):
        scale = 1.0 / np.sqrt(din)
        inp[f'Wl{i}'] = jax.random.uniform(ks[2 + 4 * i], (din, dout), dtype=jnp.float32, minval=-scale, maxval=scale)
        inp[f'Wr{i}'] = jax.random.uniform(ks[3 + 4 * i], (din, dout), dtype=jnp.float32, minval=-scale, maxval=scale)
        inp[f'b{i}'] = jnp.zeros((dout,), dtype=jnp.float32)
        inp[f'a{i}'] = jnp.full((dout,), 0.25, dtype=jnp.float32)
    return inp


def _sage_layer(x, src, dst, Wl, Wr, b, a):
    # SAGEConv with mean aggregation: out = lin_l(mean_{j in N(i)} x_j) + lin_r(x_i)
    msgs = x[src]  # gather [E, d]
    sums = jax.ops.segment_sum(msgs, dst, num_segments=x.shape[0])
    cnt = jax.ops.segment_sum(jnp.ones((src.shape[0], 1), dtype=x.dtype), dst, num_segments=x.shape[0])
    mean = sums / jnp.maximum(cnt, 1.0)
    h = mean @ Wl + b + x @ Wr
    # PReLU with per-channel slope
    return jnp.where(h >= 0, h, a * h)


def reference(x, edge_index, Wl0, Wr0, b0, a0, Wl1, Wr1, b1, a1, Wl2, Wr2, b2, a2, Wl3, Wr3, b3, a3):
    src = edge_index[0]
    dst = edge_index[1]
    params = [(Wl0, Wr0, b0, a0), (Wl1, Wr1, b1, a1), (Wl2, Wr2, b2, a2), (Wl3, Wr3, b3, a3)]
    h = x
    for Wl, Wr, b, a in params:
        h = _sage_layer(h, src, dst, Wl, Wr, b, a)
    return h

if __name__ == "__main__":
    import jax
    _d = setup_inputs()
    print(jax.jit(kernel)(*tuple(_d.values())))

</pallas_src>

<mosaic_0001>
#map = affine_map<(d0, d1) -> (0, 0)>
module attributes {stable_mosaic.version = 14 : i64} {
  func.func @_sc_count(%arg0: i32, %arg1: i32, %arg2: memref<2528x128xi32, #tpu.memory_space<hbm>>, %arg3: memref<128x128xf32, #tpu.memory_space<hbm>>, %arg4: memref<632x128xf32, #tpu.memory_space<hbm>>, %arg5: memref<10112x128xf32, #tpu.memory_space<hbm>>, %arg6: memref<10112x128xf32, #tpu.memory_space<vmem_shared>>, %arg7: memref<128xi32, #tpu.memory_space<vmem>>, %arg8: memref<128x128xf32, #tpu.memory_space<vmem>>, %arg9: memref<!tpu.dma_semaphore, #tpu.memory_space<semaphore_mem>>) attributes {dimension_semantics = [#tpu.dimension_semantics<core_parallel>, #tpu.dimension_semantics<subcore_parallel>], iteration_bounds = array<i64: 2, 16>, scalar_prefetch = 0 : i64, scratch_operands = 4 : i64, tpu.core_type = #tpu.core_type<sc_vector_subcore>, window_params = [{transform_indices = #map}, {transform_indices = #map}, {transform_indices = #map}, {transform_indices = #map}]} {
    %eq3A = arith.constant 0 : i32
    %eq3A_0 = arith.cmpi eq, %arg0, %eq3A : i32
    %convert_element_type3A = arith.extui %eq3A_0 : i1 to i32
    %cond3A = arith.constant 0 : i32
    %cond3A_1 = arith.cmpi ne, %convert_element_type3A, %cond3A : i32
    scf.if %cond3A_1 {
      %mul3A = arith.constant 632 : i32
      %mul3A_2 = arith.muli %arg1, %mul3A : i32
      "tpu.region"() ({
        %run_scoped3A = tpu.sem_alloc : memref<!tpu.dma_semaphore, #tpu.memory_space<semaphore_mem>>
        %dma_start3A = arith.constant 0 : i32
        %dma_start3A_15 = tpu.memref_slice %arg6[%mul3A_2, %dma_start3A] : memref<10112x128xf32, #tpu.memory_space<vmem_shared>> -> memref<632x128xf32, #tpu.memory_space<vmem_shared>>
        tpu.enqueue_dma source(%arg4 : memref<632x128xf32, #tpu.memory_space<hbm>>) target(%dma_start3A_15 : memref<632x128xf32, #tpu.memory_space<vmem_shared>>) target_semaphore(%run_scoped3A : memref<!tpu.dma_semaphore, #tpu.memory_space<semaphore_mem>>)
        %dma_wait3A = arith.constant 0 : i32
        %dma_wait3A_16 = tpu.memref_slice %arg6[%mul3A_2, %dma_wait3A] : memref<10112x128xf32, #tpu.memory_space<vmem_shared>> -> memref<632x128xf32, #tpu.memory_space<vmem_shared>>
        tpu.wait_dma2 semaphore(%run_scoped3A : memref<!tpu.dma_semaphore, #tpu.memory_space<semaphore_mem>>) src(%arg4 : memref<632x128xf32, #tpu.memory_space<hbm>>) dst(%dma_wait3A_16 : memref<632x128xf32, #tpu.memory_space<vmem_shared>>)
        tpu.yield
      }) : () -> ()
      "tpu.region"() ({
        %run_scoped3A = tpu.sem_alloc : memref<!tpu.dma_semaphore, #tpu.memory_space<semaphore_mem>>
        tpu.enqueue_dma source(%arg3 : memref<128x128xf32, #tpu.memory_space<hbm>>) target(%arg8 : memref<128x128xf32, #tpu.memory_space<vmem>>) target_semaphore(%run_scoped3A : memref<!tpu.dma_semaphore, #tpu.memory_space<semaphore_mem>>)
        tpu.wait_dma2 semaphore(%run_scoped3A : memref<!tpu.dma_semaphore, #tpu.memory_space<semaphore_mem>>) src(%arg3 : memref<128x128xf32, #tpu.memory_space<hbm>>) dst(%arg8 : memref<128x128xf32, #tpu.memory_space<vmem>>)
        tpu.yield
      }) : () -> ()
      %barrier3A = arith.constant 0 : index
      tpu.barrier barrier_id(%barrier3A)
      %mul3A_3 = arith.constant 158 : i32
      %mul3A_4 = arith.muli %arg1, %mul3A_3 : i32
      %scan3A = arith.constant 0 : i32
      %scan3A_5 = arith.constant 0 : i32
      %scan3A_6 = arith.constant 158 : i32
      %scan3A_7 = arith.addi %scan3A_5, %scan3A_6 : i32
      %scan3A_8 = arith.constant 1 : i32
      scf.for %scan3A_15 = %scan3A_5 to %scan3A_7 step %scan3A_8  : i32 {
        %add3A = arith.addi %mul3A_4, %scan3A_15 : i32
        "tpu.region"() ({
          %run_scoped3A = tpu.sem_alloc : memref<!tpu.dma_semaphore, #tpu.memory_space<semaphore_mem>>
          %dma_start3A = arith.constant 0 : i32
          %dma_start3A_16 = tpu.memref_slice %arg2[%add3A, %dma_start3A] : memref<2528x128xi32, #tpu.memory_space<hbm>> -> memref<1x128xi32, #tpu.memory_space<hbm>>
          %dma_start3A_17 = tpu.memref_squeeze %dma_start3A_16 : memref<1x128xi32, #tpu.memory_space<hbm>> -> memref<128xi32, #tpu.memory_space<hbm>>
          %dma_start3A_18 = arith.constant 0 : i32
          %dma_start3A_19 = tpu.memref_slice %arg2[%add3A, %dma_start3A_18] : memref<2528x128xi32, #tpu.memory_space<hbm>> -> memref<1x128xi32, #tpu.memory_space<hbm>>
          %dma_start3A_20 = tpu.memref_squeeze %dma_start3A_19 : memref<1x128xi32, #tpu.memory_space<hbm>> -> memref<128xi32, #tpu.memory_space<hbm>>
          tpu.enqueue_dma source(%dma_start3A_20 : memref<128xi32, #tpu.memory_space<hbm>>) target(%arg7 : memref<128xi32, #tpu.memory_space<vmem>>) target_semaphore(%run_scoped3A : memref<!tpu.dma_semaphore, #tpu.memory_space<semaphore_mem>>)
          %dma_wait3A = arith.constant 0 : i32
          %dma_wait3A_21 = tpu.memref_slice %arg2[%add3A, %dma_wait3A] : memref<2528x128xi32, #tpu.memory_space<hbm>> -> memref<1x128xi32, #tpu.memory_space<hbm>>
          %dma_wait3A_22 = tpu.memref_squeeze %dma_wait3A_21 : memref<1x128xi32, #tpu.memory_space<hbm>> -> memref<128xi32, #tpu.memory_space<hbm>>
          %dma_wait3A_23 = arith.constant 0 : i32
          %dma_wait3A_24 = tpu.memref_slice %arg2[%add3A, %dma_wait3A_23] : memref<2528x128xi32, #tpu.memory_space<hbm>> -> memref<1x128xi32, #tpu.memory_space<hbm>>
          %dma_wait3A_25 = tpu.memref_squeeze %dma_wait3A_24 : memref<1x128xi32, #tpu.memory_space<hbm>> -> memref<128xi32, #tpu.memory_space<hbm>>
          tpu.wait_dma2 semaphore(%run_scoped3A : memref<!tpu.dma_semaphore, #tpu.memory_space<semaphore_mem>>) src(%dma_wait3A_25 : memref<128xi32, #tpu.memory_space<hbm>>) dst(%arg7 : memref<128xi32, #tpu.memory_space<vmem>>)
          tpu.yield
        }) : () -> ()
        "tpu.region"() ({
          %run_scoped3A = tpu.sem_alloc : memref<!tpu.dma_semaphore, #tpu.memory_space<semaphore_mem>>
          %dma_start3A = arith.constant 0 : i32
          %dma_start3A_16 = arith.constant 0 : i32
          %dma_start3A_17 = tpu.memref_slice %arg6[%dma_start3A, %dma_start3A_16] : memref<10112x128xf32, #tpu.memory_space<vmem_shared>> -> memref<10112x128xf32, #tpu.memory_space<vmem_shared>>
          tpu.enqueue_indirect_dma source(%arg8 : memref<128x128xf32, #tpu.memory_space<vmem>>) target(%dma_start3A_17 : memref<10112x128xf32, #tpu.memory_space<vmem_shared>>) offsets(%arg7 : memref<128xi32, #tpu.memory_space<vmem>>) semaphore(%run_scoped3A : memref<!tpu.dma_semaphore, #tpu.memory_space<semaphore_mem>>) {add = true}
          %dma_wait3A = arith.constant 0 : i32
          %dma_wait3A_18 = arith.constant 0 : i32
          %dma_wait3A_19 = tpu.memref_slice %arg6[%dma_wait3A, %dma_wait3A_18] : memref<10112x128xf32, #tpu.memory_space<vmem_shared>> -> memref<10112x128xf32, #tpu.memory_space<vmem_shared>>
          tpu.wait_indirect_dma semaphore(%run_scoped3A : memref<!tpu.dma_semaphore, #tpu.memory_space<semaphore_mem>>) src(%arg8 : memref<128x128xf32, #tpu.memory_space<vmem>>) dst(%dma_wait3A_19 : memref<10112x128xf32, #tpu.memory_space<vmem_shared>>)
          tpu.yield
        }) : () -> ()
      }
      %scan3A_9 = arith.constant 158 : i32
      %barrier3A_10 = arith.constant 0 : index
      tpu.barrier barrier_id(%barrier3A_10)
      %mul3A_11 = arith.constant 632 : i32
      %mul3A_12 = arith.muli %arg1, %mul3A_11 : i32
      %mul3A_13 = arith.constant 632 : i32
      %mul3A_14 = arith.muli %arg1, %mul3A_13 : i32
      "tpu.region"() ({
        %run_scoped3A = tpu.sem_alloc : memref<!tpu.dma_semaphore, #tpu.memory_space<semaphore_mem>>
        %dma_start3A = arith.constant 0 : i32
        %dma_start3A_15 = tpu.memref_slice %arg5[%mul3A_14, %dma_start3A] : memref<10112x128xf32, #tpu.memory_space<hbm>> -> memref<632x128xf32, #tpu.memory_space<hbm>>
        %dma_start3A_16 = arith.constant 0 : i32
        %dma_start3A_17 = tpu.memref_slice %arg6[%mul3A_12, %dma_start3A_16] : memref<10112x128xf32, #tpu.memory_space<vmem_shared>> -> memref<632x128xf32, #tpu.memory_space<vmem_shared>>
        tpu.enqueue_dma source(%dma_start3A_17 : memref<632x128xf32, #tpu.memory_space<vmem_shared>>) target(%dma_start3A_15 : memref<632x128xf32, #tpu.memory_space<hbm>>) target_semaphore(%run_scoped3A : memref<!tpu.dma_semaphore, #tpu.memory_space<semaphore_mem>>)
        %dma_wait3A = arith.constant 0 : i32
        %dma_wait3A_18 = tpu.memref_slice %arg5[%mul3A_14, %dma_wait3A] : memref<10112x128xf32, #tpu.memory_space<hbm>> -> memref<632x128xf32, #tpu.memory_space<hbm>>
        %dma_wait3A_19 = arith.constant 0 : i32
        %dma_wait3A_20 = tpu.memref_slice %arg6[%mul3A_12, %dma_wait3A_19] : memref<10112x128xf32, #tpu.memory_space<vmem_shared>> -> memref<632x128xf32, #tpu.memory_space<vmem_shared>>
        tpu.wait_dma2 semaphore(%run_scoped3A : memref<!tpu.dma_semaphore, #tpu.memory_space<semaphore_mem>>) src(%dma_wait3A_20 : memref<632x128xf32, #tpu.memory_space<vmem_shared>>) dst(%dma_wait3A_18 : memref<632x128xf32, #tpu.memory_space<hbm>>)
        tpu.yield
      }) : () -> ()
    } else {
    }
    return
  }
}

#map = affine_map<(d0, d1) -> (0, 0)>
#map1 = affine_map<(d0, d1) -> (0, 0, 0)>
module attributes {stable_mosaic.version = 14 : i64} {
  func.func @_sc_aggregate(%arg0: i32, %arg1: i32, %arg2: memref<10112x128xf32, #tpu.memory_space<hbm>>, %arg3: memref<2528x128xi32, #tpu.memory_space<hbm>>, %arg4: memref<2528x128xi32, #tpu.memory_space<hbm>>, %arg5: memref<632x128xf32, #tpu.memory_space<hbm>>, %arg6: memref<2x10112x128xf32, #tpu.memory_space<hbm>>, %arg7: memref<10112x128xf32, #tpu.memory_space<vmem_shared>>, %arg8: memref<128xi32, #tpu.memory_space<vmem>>, %arg9: memref<128xi32, #tpu.memory_space<vmem>>, %arg10: memref<128x128xf32, #tpu.memory_space<vmem>>, %arg11: memref<!tpu.dma_semaphore, #tpu.memory_space<semaphore_mem>>) attributes {dimension_semantics = [#tpu.dimension_semantics<core_parallel>, #tpu.dimension_semantics<subcore_parallel>], iteration_bounds = array<i64: 2, 16>, scalar_prefetch = 0 : i64, scratch_operands = 5 : i64, tpu.core_type = #tpu.core_type<sc_vector_subcore>, window_params = [{transform_indices = #map}, {transform_indices = #map}, {transform_indices = #map}, {transform_indices = #map}, {transform_indices = #map1}]} {
    %mul3A = arith.constant 632 : i32
    %mul3A_0 = arith.muli %arg1, %mul3A : i32
    "tpu.region"() ({
      %run_scoped3A = tpu.sem_alloc : memref<!tpu.dma_semaphore, #tpu.memory_space<semaphore_mem>>
      %dma_start3A = arith.constant 0 : i32
      %dma_start3A_15 = tpu.memref_slice %arg7[%mul3A_0, %dma_start3A] : memref<10112x128xf32, #tpu.memory_space<vmem_shared>> -> memref<632x128xf32, #tpu.memory_space<vmem_shared>>
      tpu.enqueue_dma source(%arg5 : memref<632x128xf32, #tpu.memory_space<hbm>>) target(%dma_start3A_15 : memref<632x128xf32, #tpu.memory_space<vmem_shared>>) target_semaphore(%run_scoped3A : memref<!tpu.dma_semaphore, #tpu.memory_space<semaphore_mem>>)
      %dma_wait3A = arith.constant 0 : i32
      %dma_wait3A_16 = tpu.memref_slice %arg7[%mul3A_0, %dma_wait3A] : memref<10112x128xf32, #tpu.memory_space<vmem_shared>> -> memref<632x128xf32, #tpu.memory_space<vmem_shared>>
      tpu.wait_dma2 semaphore(%run_scoped3A : memref<!tpu.dma_semaphore, #tpu.memory_space<semaphore_mem>>) src(%arg5 : memref<632x128xf32, #tpu.memory_space<hbm>>) dst(%dma_wait3A_16 : memref<632x128xf32, #tpu.memory_space<vmem_shared>>)
      tpu.yield
    }) : () -> ()
    %barrier3A = arith.constant 0 : index
    tpu.barrier barrier_id(%barrier3A)
    %mul3A_1 = arith.constant 16 : i32
    %mul3A_2 = arith.muli %arg0, %mul3A_1 : i32
    %add3A = arith.addi %mul3A_2, %arg1 : i32
    %mul3A_3 = arith.constant 79 : i32
    %mul3A_4 = arith.muli %add3A, %mul3A_3 : i32
    %scan3A = arith.constant 0 : i32
    %scan3A_5 = arith.constant 0 : i32
    %scan3A_6 = arith.constant 79 : i32
    %scan3A_7 = arith.addi %scan3A_5, %scan3A_6 : i32
    %scan3A_8 = arith.constant 1 : i32
    scf.for %scan3A_15 = %scan3A_5 to %scan3A_7 step %scan3A_8  : i32 {
      %add3A_16 = arith.addi %mul3A_4, %scan3A_15 : i32
      "tpu.region"() ({
        %run_scoped3A = tpu.sem_alloc : memref<!tpu.dma_semaphore, #tpu.memory_space<semaphore_mem>>
        %dma_start3A_22 = arith.constant 0 : i32
        %dma_start3A_23 = tpu.memref_slice %arg3[%add3A_16, %dma_start3A_22] : memref<2528x128xi32, #tpu.memory_space<hbm>> -> memref<1x128xi32, #tpu.memory_space<hbm>>
        %dma_start3A_24 = tpu.memref_squeeze %dma_start3A_23 : memref<1x128xi32, #tpu.memory_space<hbm>> -> memref<128xi32, #tpu.memory_space<hbm>>
        %dma_start3A_25 = arith.constant 0 : i32
        %dma_start3A_26 = tpu.memref_slice %arg3[%add3A_16, %dma_start3A_25] : memref<2528x128xi32, #tpu.memory_space<hbm>> -> memref<1x128xi32, #tpu.memory_space<hbm>>
        %dma_start3A_27 = tpu.memref_squeeze %dma_start3A_26 : memref<1x128xi32, #tpu.memory_space<hbm>> -> memref<128xi32, #tpu.memory_space<hbm>>
        tpu.enqueue_dma source(%dma_start3A_27 : memref<128xi32, #tpu.memory_space<hbm>>) target(%arg8 : memref<128xi32, #tpu.memory_space<vmem>>) target_semaphore(%run_scoped3A : memref<!tpu.dma_semaphore, #tpu.memory_space<semaphore_mem>>)
        %dma_wait3A_28 = arith.constant 0 : i32
        %dma_wait3A_29 = tpu.memref_slice %arg3[%add3A_16, %dma_wait3A_28] : memref<2528x128xi32, #tpu.memory_space<hbm>> -> memref<1x128xi32, #tpu.memory_space<hbm>>
        %dma_wait3A_30 = tpu.memref_squeeze %dma_wait3A_29 : memref<1x128xi32, #tpu.memory_space<hbm>> -> memref<128xi32, #tpu.memory_space<hbm>>
        %dma_wait3A_31 = arith.constant 0 : i32
        %dma_wait3A_32 = tpu.memref_slice %arg3[%add3A_16, %dma_wait3A_31] : memref<2528x128xi32, #tpu.memory_space<hbm>> -> memref<1x128xi32, #tpu.memory_space<hbm>>
        %dma_wait3A_33 = tpu.memref_squeeze %dma_wait3A_32 : memref<1x128xi32, #tpu.memory_space<hbm>> -> memref<128xi32, #tpu.memory_space<hbm>>
        tpu.wait_dma2 semaphore(%run_scoped3A : memref<!tpu.dma_semaphore, #tpu.memory_space<semaphore_mem>>) src(%dma_wait3A_33 : memref<128xi32, #tpu.memory_space<hbm>>) dst(%arg8 : memref<128xi32, #tpu.memory_space<vmem>>)
        tpu.yield
      }) : () -> ()
      %add3A_17 = arith.addi %mul3A_4, %scan3A_15 : i32
      "tpu.region"() ({
        %run_scoped3A = tpu.sem_alloc : memref<!tpu.dma_semaphore, #tpu.memory_space<semaphore_mem>>
        %dma_start3A_22 = arith.constant 0 : i32
        %dma_start3A_23 = tpu.memref_slice %arg4[%add3A_17, %dma_start3A_22] : memref<2528x128xi32, #tpu.memory_space<hbm>> -> memref<1x128xi32, #tpu.memory_space<hbm>>
        %dma_start3A_24 = tpu.memref_squeeze %dma_start3A_23 : memref<1x128xi32, #tpu.memory_space<hbm>> -> memref<128xi32, #tpu.memory_space<hbm>>
        %dma_start3A_25 = arith.constant 0 : i32
        %dma_start3A_26 = tpu.memref_slice %arg4[%add3A_17, %dma_start3A_25] : memref<2528x128xi32, #tpu.memory_space<hbm>> -> memref<1x128xi32, #tpu.memory_space<hbm>>
        %dma_start3A_27 = tpu.memref_squeeze %dma_start3A_26 : memref<1x128xi32, #tpu.memory_space<hbm>> -> memref<128xi32, #tpu.memory_space<hbm>>
        tpu.enqueue_dma source(%dma_start3A_27 : memref<128xi32, #tpu.memory_space<hbm>>) target(%arg9 : memref<128xi32, #tpu.memory_space<vmem>>) target_semaphore(%run_scoped3A : memref<!tpu.dma_semaphore, #tpu.memory_space<semaphore_mem>>)
        %dma_wait3A_28 = arith.constant 0 : i32
        %dma_wait3A_29 = tpu.memref_slice %arg4[%add3A_17, %dma_wait3A_28] : memref<2528x128xi32, #tpu.memory_space<hbm>> -> memref<1x128xi32, #tpu.memory_space<hbm>>
        %dma_wait3A_30 = tpu.memref_squeeze %dma_wait3A_29 : memref<1x128xi32, #tpu.memory_space<hbm>> -> memref<128xi32, #tpu.memory_space<hbm>>
        %dma_wait3A_31 = arith.constant 0 : i32
        %dma_wait3A_32 = tpu.memref_slice %arg4[%add3A_17, %dma_wait3A_31] : memref<2528x128xi32, #tpu.memory_space<hbm>> -> memref<1x128xi32, #tpu.memory_space<hbm>>
        %dma_wait3A_33 = tpu.memref_squeeze %dma_wait3A_32 : memref<1x128xi32, #tpu.memory_space<hbm>> -> memref<128xi32, #tpu.memory_space<hbm>>
        tpu.wait_dma2 semaphore(%run_scoped3A : memref<!tpu.dma_semaphore, #tpu.memory_space<semaphore_mem>>) src(%dma_wait3A_33 : memref<128xi32, #tpu.memory_space<hbm>>) dst(%arg9 : memref<128xi32, #tpu.memory_space<vmem>>)
        tpu.yield
      }) : () -> ()
      %dma_start3A = arith.constant 0 : i32
      %dma_start3A_18 = arith.constant 0 : i32
      %dma_start3A_19 = tpu.memref_slice %arg2[%dma_start3A, %dma_start3A_18] : memref<10112x128xf32, #tpu.memory_space<hbm>> -> memref<10112x128xf32, #tpu.memory_space<hbm>>
      tpu.enqueue_indirect_dma source(%dma_start3A_19 : memref<10112x128xf32, #tpu.memory_space<hbm>>) target(%arg10 : memref<128x128xf32, #tpu.memory_space<vmem>>) offsets(%arg8 : memref<128xi32, #tpu.memory_space<vmem>>) semaphore(%arg11 : memref<!tpu.dma_semaphore, #tpu.memory_space<semaphore_mem>>)
      %dma_wait3A = arith.constant 0 : i32
      %dma_wait3A_20 = arith.constant 0 : i32
      %dma_wait3A_21 = tpu.memref_slice %arg2[%dma_wait3A, %dma_wait3A_20] : memref<10112x128xf32, #tpu.memory_space<hbm>> -> memref<10112x128xf32, #tpu.memory_space<hbm>>
      tpu.wait_indirect_dma semaphore(%arg11 : memref<!tpu.dma_semaphore, #tpu.memory_space<semaphore_mem>>) src(%dma_wait3A_21 : memref<10112x128xf32, #tpu.memory_space<hbm>>) dst(%arg10 : memref<128x128xf32, #tpu.memory_space<vmem>>)
      "tpu.region"() ({
        %run_scoped3A = tpu.sem_alloc : memref<!tpu.dma_semaphore, #tpu.memory_space<semaphore_mem>>
        %dma_start3A_22 = arith.constant 0 : i32
        %dma_start3A_23 = arith.constant 0 : i32
        %dma_start3A_24 = tpu.memref_slice %arg7[%dma_start3A_22, %dma_start3A_23] : memref<10112x128xf32, #tpu.memory_space<vmem_shared>> -> memref<10112x128xf32, #tpu.memory_space<vmem_shared>>
        tpu.enqueue_indirect_dma source(%arg10 : memref<128x128xf32, #tpu.memory_space<vmem>>) target(%dma_start3A_24 : memref<10112x128xf32, #tpu.memory_space<vmem_shared>>) offsets(%arg9 : memref<128xi32, #tpu.memory_space<vmem>>) semaphore(%run_scoped3A : memref<!tpu.dma_semaphore, #tpu.memory_space<semaphore_mem>>) {add = true}
        %dma_wait3A_25 = arith.constant 0 : i32
        %dma_wait3A_26 = arith.constant 0 : i32
        %dma_wait3A_27 = tpu.memref_slice %arg7[%dma_wait3A_25, %dma_wait3A_26] : memref<10112x128xf32, #tpu.memory_space<vmem_shared>> -> memref<10112x128xf32, #tpu.memory_space<vmem_shared>>
        tpu.wait_indirect_dma semaphore(%run_scoped3A : memref<!tpu.dma_semaphore, #tpu.memory_space<semaphore_mem>>) src(%arg10 : memref<128x128xf32, #tpu.memory_space<vmem>>) dst(%dma_wait3A_27 : memref<10112x128xf32, #tpu.memory_space<vmem_shared>>)
        tpu.yield
      }) : () -> ()
    }
    %scan3A_9 = arith.constant 79 : i32
    %barrier3A_10 = arith.constant 0 : index
    tpu.barrier barrier_id(%barrier3A_10)
    %mul3A_11 = arith.constant 632 : i32
    %mul3A_12 = arith.muli %arg1, %mul3A_11 : i32
    %mul3A_13 = arith.constant 632 : i32
    %mul3A_14 = arith.muli %arg1, %mul3A_13 : i32
    "tpu.region"() ({
      %run_scoped3A = tpu.sem_alloc : memref<!tpu.dma_semaphore, #tpu.memory_space<semaphore_mem>>
      %dma_start3A = arith.constant 0 : i32
      %dma_start3A_15 = tpu.memref_slice %arg6[%arg0, %mul3A_14, %dma_start3A] : memref<2x10112x128xf32, #tpu.memory_space<hbm>> -> memref<1x632x128xf32, #tpu.memory_space<hbm>>
      %dma_start3A_16 = tpu.memref_squeeze %dma_start3A_15 : memref<1x632x128xf32, #tpu.memory_space<hbm>> -> memref<632x128xf32, #tpu.memory_space<hbm>>
      %dma_start3A_17 = arith.constant 0 : i32
      %dma_start3A_18 = tpu.memref_slice %arg7[%mul3A_12, %dma_start3A_17] : memref<10112x128xf32, #tpu.memory_space<vmem_shared>> -> memref<632x128xf32, #tpu.memory_space<vmem_shared>>
      tpu.enqueue_dma source(%dma_start3A_18 : memref<632x128xf32, #tpu.memory_space<vmem_shared>>) target(%dma_start3A_16 : memref<632x128xf32, #tpu.memory_space<hbm>>) target_semaphore(%run_scoped3A : memref<!tpu.dma_semaphore, #tpu.memory_space<semaphore_mem>>)
      %dma_wait3A = arith.constant 0 : i32
      %dma_wait3A_19 = tpu.memref_slice %arg6[%arg0, %mul3A_14, %dma_wait3A] : memref<2x10112x128xf32, #tpu.memory_space<hbm>> -> memref<1x632x128xf32, #tpu.memory_space<hbm>>
      %dma_wait3A_20 = tpu.memref_squeeze %dma_wait3A_19 : memref<1x632x128xf32, #tpu.memory_space<hbm>> -> memref<632x128xf32, #tpu.memory_space<hbm>>
      %dma_wait3A_21 = arith.constant 0 : i32
      %dma_wait3A_22 = tpu.memref_slice %arg7[%mul3A_12, %dma_wait3A_21] : memref<10112x128xf32, #tpu.memory_space<vmem_shared>> -> memref<632x128xf32, #tpu.memory_space<vmem_shared>>
      tpu.wait_dma2 semaphore(%run_scoped3A : memref<!tpu.dma_semaphore, #tpu.memory_space<semaphore_mem>>) src(%dma_wait3A_22 : memref<632x128xf32, #tpu.memory_space<vmem_shared>>) dst(%dma_wait3A_20 : memref<632x128xf32, #tpu.memory_space<hbm>>)
      tpu.yield
    }) : () -> ()
    return
  }
}

#map = affine_map<(d0, d1) -> (0, 0)>
#map1 = affine_map<(d0, d1) -> (0, 0, 0)>
module attributes {stable_mosaic.version = 14 : i64} {
  func.func @_sc_aggregate(%arg0: i32, %arg1: i32, %arg2: memref<10112x128xf32, #tpu.memory_space<hbm>>, %arg3: memref<2528x128xi32, #tpu.memory_space<hbm>>, %arg4: memref<2528x128xi32, #tpu.memory_space<hbm>>, %arg5: memref<632x128xf32, #tpu.memory_space<hbm>>, %arg6: memref<2x10112x128xf32, #tpu.memory_space<hbm>>, %arg7: memref<10112x128xf32, #tpu.memory_space<vmem_shared>>, %arg8: memref<128xi32, #tpu.memory_space<vmem>>, %arg9: memref<128xi32, #tpu.memory_space<vmem>>, %arg10: memref<128x128xf32, #tpu.memory_space<vmem>>, %arg11: memref<!tpu.dma_semaphore, #tpu.memory_space<semaphore_mem>>) attributes {dimension_semantics = [#tpu.dimension_semantics<core_parallel>, #tpu.dimension_semantics<subcore_parallel>], iteration_bounds = array<i64: 2, 16>, scalar_prefetch = 0 : i64, scratch_operands = 5 : i64, tpu.core_type = #tpu.core_type<sc_vector_subcore>, window_params = [{transform_indices = #map}, {transform_indices = #map}, {transform_indices = #map}, {transform_indices = #map}, {transform_indices = #map1}]} {
    %mul3A = arith.constant 632 : i32
    %mul3A_0 = arith.muli %arg1, %mul3A : i32
    "tpu.region"() ({
      %run_scoped3A = tpu.sem_alloc : memref<!tpu.dma_semaphore, #tpu.memory_space<semaphore_mem>>
      %dma_start3A = arith.constant 0 : i32
      %dma_start3A_15 = tpu.memref_slice %arg7[%mul3A_0, %dma_start3A] : memref<10112x128xf32, #tpu.memory_space<vmem_shared>> -> memref<632x128xf32, #tpu.memory_space<vmem_shared>>
      tpu.enqueue_dma source(%arg5 : memref<632x128xf32, #tpu.memory_space<hbm>>) target(%dma_start3A_15 : memref<632x128xf32, #tpu.memory_space<vmem_shared>>) target_semaphore(%run_scoped3A : memref<!tpu.dma_semaphore, #tpu.memory_space<semaphore_mem>>)
      %dma_wait3A = arith.constant 0 : i32
      %dma_wait3A_16 = tpu.memref_slice %arg7[%mul3A_0, %dma_wait3A] : memref<10112x128xf32, #tpu.memory_space<vmem_shared>> -> memref<632x128xf32, #tpu.memory_space<vmem_shared>>
      tpu.wait_dma2 semaphore(%run_scoped3A : memref<!tpu.dma_semaphore, #tpu.memory_space<semaphore_mem>>) src(%arg5 : memref<632x128xf32, #tpu.memory_space<hbm>>) dst(%dma_wait3A_16 : memref<632x128xf32, #tpu.memory_space<vmem_shared>>)
      tpu.yield
    }) : () -> ()
    %barrier3A = arith.constant 0 : index
    tpu.barrier barrier_id(%barrier3A)
    %mul3A_1 = arith.constant 16 : i32
    %mul3A_2 = arith.muli %arg0, %mul3A_1 : i32
    %add3A = arith.addi %mul3A_2, %arg1 : i32
    %mul3A_3 = arith.constant 79 : i32
    %mul3A_4 = arith.muli %add3A, %mul3A_3 : i32
    %scan3A = arith.constant 0 : i32
    %scan3A_5 = arith.constant 0 : i32
    %scan3A_6 = arith.constant 79 : i32
    %scan3A_7 = arith.addi %scan3A_5, %scan3A_6 : i32
    %scan3A_8 = arith.constant 1 : i32
    scf.for %scan3A_15 = %scan3A_5 to %scan3A_7 step %scan3A_8  : i32 {
      %add3A_16 = arith.addi %mul3A_4, %scan3A_15 : i32
      "tpu.region"() ({
        %run_scoped3A = tpu.sem_alloc : memref<!tpu.dma_semaphore, #tpu.memory_space<semaphore_mem>>
        %dma_start3A_22 = arith.constant 0 : i32
        %dma_start3A_23 = tpu.memref_slice %arg3[%add3A_16, %dma_start3A_22] : memref<2528x128xi32, #tpu.memory_space<hbm>> -> memref<1x128xi32, #tpu.memory_space<hbm>>
        %dma_start3A_24 = tpu.memref_squeeze %dma_start3A_23 : memref<1x128xi32, #tpu.memory_space<hbm>> -> memref<128xi32, #tpu.memory_space<hbm>>
        %dma_start3A_25 = arith.constant 0 : i32
        %dma_start3A_26 = tpu.memref_slice %arg3[%add3A_16, %dma_start3A_25] : memref<2528x128xi32, #tpu.memory_space<hbm>> -> memref<1x128xi32, #tpu.memory_space<hbm>>
        %dma_start3A_27 = tpu.memref_squeeze %dma_start3A_26 : memref<1x128xi32, #tpu.memory_space<hbm>> -> memref<128xi32, #tpu.memory_space<hbm>>
        tpu.enqueue_dma source(%dma_start3A_27 : memref<128xi32, #tpu.memory_space<hbm>>) target(%arg8 : memref<128xi32, #tpu.memory_space<vmem>>) target_semaphore(%run_scoped3A : memref<!tpu.dma_semaphore, #tpu.memory_space<semaphore_mem>>)
        %dma_wait3A_28 = arith.constant 0 : i32
        %dma_wait3A_29 = tpu.memref_slice %arg3[%add3A_16, %dma_wait3A_28] : memref<2528x128xi32, #tpu.memory_space<hbm>> -> memref<1x128xi32, #tpu.memory_space<hbm>>
        %dma_wait3A_30 = tpu.memref_squeeze %dma_wait3A_29 : memref<1x128xi32, #tpu.memory_space<hbm>> -> memref<128xi32, #tpu.memory_space<hbm>>
        %dma_wait3A_31 = arith.constant 0 : i32
        %dma_wait3A_32 = tpu.memref_slice %arg3[%add3A_16, %dma_wait3A_31] : memref<2528x128xi32, #tpu.memory_space<hbm>> -> memref<1x128xi32, #tpu.memory_space<hbm>>
        %dma_wait3A_33 = tpu.memref_squeeze %dma_wait3A_32 : memref<1x128xi32, #tpu.memory_space<hbm>> -> memref<128xi32, #tpu.memory_space<hbm>>
        tpu.wait_dma2 semaphore(%run_scoped3A : memref<!tpu.dma_semaphore, #tpu.memory_space<semaphore_mem>>) src(%dma_wait3A_33 : memref<128xi32, #tpu.memory_space<hbm>>) dst(%arg8 : memref<128xi32, #tpu.memory_space<vmem>>)
        tpu.yield
      }) : () -> ()
      %add3A_17 = arith.addi %mul3A_4, %scan3A_15 : i32
      "tpu.region"() ({
        %run_scoped3A = tpu.sem_alloc : memref<!tpu.dma_semaphore, #tpu.memory_space<semaphore_mem>>
        %dma_start3A_22 = arith.constant 0 : i32
        %dma_start3A_23 = tpu.memref_slice %arg4[%add3A_17, %dma_start3A_22] : memref<2528x128xi32, #tpu.memory_space<hbm>> -> memref<1x128xi32, #tpu.memory_space<hbm>>
        %dma_start3A_24 = tpu.memref_squeeze %dma_start3A_23 : memref<1x128xi32, #tpu.memory_space<hbm>> -> memref<128xi32, #tpu.memory_space<hbm>>
        %dma_start3A_25 = arith.constant 0 : i32
        %dma_start3A_26 = tpu.memref_slice %arg4[%add3A_17, %dma_start3A_25] : memref<2528x128xi32, #tpu.memory_space<hbm>> -> memref<1x128xi32, #tpu.memory_space<hbm>>
        %dma_start3A_27 = tpu.memref_squeeze %dma_start3A_26 : memref<1x128xi32, #tpu.memory_space<hbm>> -> memref<128xi32, #tpu.memory_space<hbm>>
        tpu.enqueue_dma source(%dma_start3A_27 : memref<128xi32, #tpu.memory_space<hbm>>) target(%arg9 : memref<128xi32, #tpu.memory_space<vmem>>) target_semaphore(%run_scoped3A : memref<!tpu.dma_semaphore, #tpu.memory_space<semaphore_mem>>)
        %dma_wait3A_28 = arith.constant 0 : i32
        %dma_wait3A_29 = tpu.memref_slice %arg4[%add3A_17, %dma_wait3A_28] : memref<2528x128xi32, #tpu.memory_space<hbm>> -> memref<1x128xi32, #tpu.memory_space<hbm>>
        %dma_wait3A_30 = tpu.memref_squeeze %dma_wait3A_29 : memref<1x128xi32, #tpu.memory_space<hbm>> -> memref<128xi32, #tpu.memory_space<hbm>>
        %dma_wait3A_31 = arith.constant 0 : i32
        %dma_wait3A_32 = tpu.memref_slice %arg4[%add3A_17, %dma_wait3A_31] : memref<2528x128xi32, #tpu.memory_space<hbm>> -> memref<1x128xi32, #tpu.memory_space<hbm>>
        %dma_wait3A_33 = tpu.memref_squeeze %dma_wait3A_32 : memref<1x128xi32, #tpu.memory_space<hbm>> -> memref<128xi32, #tpu.memory_space<hbm>>
        tpu.wait_dma2 semaphore(%run_scoped3A : memref<!tpu.dma_semaphore, #tpu.memory_space<semaphore_mem>>) src(%dma_wait3A_33 : memref<128xi32, #tpu.memory_space<hbm>>) dst(%arg9 : memref<128xi32, #tpu.memory_space<vmem>>)
        tpu.yield
      }) : () -> ()
      %dma_start3A = arith.constant 0 : i32
      %dma_start3A_18 = arith.constant 0 : i32
      %dma_start3A_19 = tpu.memref_slice %arg2[%dma_start3A, %dma_start3A_18] : memref<10112x128xf32, #tpu.memory_space<hbm>> -> memref<10112x128xf32, #tpu.memory_space<hbm>>
      tpu.enqueue_indirect_dma source(%dma_start3A_19 : memref<10112x128xf32, #tpu.memory_space<hbm>>) target(%arg10 : memref<128x128xf32, #tpu.memory_space<vmem>>) offsets(%arg8 : memref<128xi32, #tpu.memory_space<vmem>>) semaphore(%arg11 : memref<!tpu.dma_semaphore, #tpu.memory_space<semaphore_mem>>)
      %dma_wait3A = arith.constant 0 : i32
      %dma_wait3A_20 = arith.constant 0 : i32
      %dma_wait3A_21 = tpu.memref_slice %arg2[%dma_wait3A, %dma_wait3A_20] : memref<10112x128xf32, #tpu.memory_space<hbm>> -> memref<10112x128xf32, #tpu.memory_space<hbm>>
      tpu.wait_indirect_dma semaphore(%arg11 : memref<!tpu.dma_semaphore, #tpu.memory_space<semaphore_mem>>) src(%dma_wait3A_21 : memref<10112x128xf32, #tpu.memory_space<hbm>>) dst(%arg10 : memref<128x128xf32, #tpu.memory_space<vmem>>)
      "tpu.region"() ({
        %run_scoped3A = tpu.sem_alloc : memref<!tpu.dma_semaphore, #tpu.memory_space<semaphore_mem>>
        %dma_start3A_22 = arith.constant 0 : i32
        %dma_start3A_23 = arith.constant 0 : i32
        %dma_start3A_24 = tpu.memref_slice %arg7[%dma_start3A_22, %dma_start3A_23] : memref<10112x128xf32, #tpu.memory_space<vmem_shared>> -> memref<10112x128xf32, #tpu.memory_space<vmem_shared>>
        tpu.enqueue_indirect_dma source(%arg10 : memref<128x128xf32, #tpu.memory_space<vmem>>) target(%dma_start3A_24 : memref<10112x128xf32, #tpu.memory_space<vmem_shared>>) offsets(%arg9 : memref<128xi32, #tpu.memory_space<vmem>>) semaphore(%run_scoped3A : memref<!tpu.dma_semaphore, #tpu.memory_space<semaphore_mem>>) {add = true}
        %dma_wait3A_25 = arith.constant 0 : i32
        %dma_wait3A_26 = arith.constant 0 : i32
        %dma_wait3A_27 = tpu.memref_slice %arg7[%dma_wait3A_25, %dma_wait3A_26] : memref<10112x128xf32, #tpu.memory_space<vmem_shared>> -> memref<10112x128xf32, #tpu.memory_space<vmem_shared>>
        tpu.wait_indirect_dma semaphore(%run_scoped3A : memref<!tpu.dma_semaphore, #tpu.memory_space<semaphore_mem>>) src(%arg10 : memref<128x128xf32, #tpu.memory_space<vmem>>) dst(%dma_wait3A_27 : memref<10112x128xf32, #tpu.memory_space<vmem_shared>>)
        tpu.yield
      }) : () -> ()
    }
    %scan3A_9 = arith.constant 79 : i32
    %barrier3A_10 = arith.constant 0 : index
    tpu.barrier barrier_id(%barrier3A_10)
    %mul3A_11 = arith.constant 632 : i32
    %mul3A_12 = arith.muli %arg1, %mul3A_11 : i32
    %mul3A_13 = arith.constant 632 : i32
    %mul3A_14 = arith.muli %arg1, %mul3A_13 : i32
    "tpu.region"() ({
      %run_scoped3A = tpu.sem_alloc : memref<!tpu.dma_semaphore, #tpu.memory_space<semaphore_mem>>
      %dma_start3A = arith.constant 0 : i32
      %dma_start3A_15 = tpu.memref_slice %arg6[%arg0, %mul3A_14, %dma_start3A] : memref<2x10112x128xf32, #tpu.memory_space<hbm>> -> memref<1x632x128xf32, #tpu.memory_space<hbm>>
      %dma_start3A_16 = tpu.memref_squeeze %dma_start3A_15 : memref<1x632x128xf32, #tpu.memory_space<hbm>> -> memref<632x128xf32, #tpu.memory_space<hbm>>
      %dma_start3A_17 = arith.constant 0 : i32
      %dma_start3A_18 = tpu.memref_slice %arg7[%mul3A_12, %dma_start3A_17] : memref<10112x128xf32, #tpu.memory_space<vmem_shared>> -> memref<632x128xf32, #tpu.memory_space<vmem_shared>>
      tpu.enqueue_dma source(%dma_start3A_18 : memref<632x128xf32, #tpu.memory_space<vmem_shared>>) target(%dma_start3A_16 : memref<632x128xf32, #tpu.memory_space<hbm>>) target_semaphore(%run_scoped3A : memref<!tpu.dma_semaphore, #tpu.memory_space<semaphore_mem>>)
      %dma_wait3A = arith.constant 0 : i32
      %dma_wait3A_19 = tpu.memref_slice %arg6[%arg0, %mul3A_14, %dma_wait3A] : memref<2x10112x128xf32, #tpu.memory_space<hbm>> -> memref<1x632x128xf32, #tpu.memory_space<hbm>>
      %dma_wait3A_20 = tpu.memref_squeeze %dma_wait3A_19 : memref<1x632x128xf32, #tpu.memory_space<hbm>> -> memref<632x128xf32, #tpu.memory_space<hbm>>
      %dma_wait3A_21 = arith.constant 0 : i32
      %dma_wait3A_22 = tpu.memref_slice %arg7[%mul3A_12, %dma_wait3A_21] : memref<10112x128xf32, #tpu.memory_space<vmem_shared>> -> memref<632x128xf32, #tpu.memory_space<vmem_shared>>
      tpu.wait_dma2 semaphore(%run_scoped3A : memref<!tpu.dma_semaphore, #tpu.memory_space<semaphore_mem>>) src(%dma_wait3A_22 : memref<632x128xf32, #tpu.memory_space<vmem_shared>>) dst(%dma_wait3A_20 : memref<632x128xf32, #tpu.memory_space<hbm>>)
      tpu.yield
    }) : () -> ()
    return
  }
}

#map = affine_map<(d0, d1) -> (0, 0)>
#map1 = affine_map<(d0, d1) -> (0, 0, 0)>
module attributes {stable_mosaic.version = 14 : i64} {
  func.func @_sc_aggregate(%arg0: i32, %arg1: i32, %arg2: memref<10112x128xf32, #tpu.memory_space<hbm>>, %arg3: memref<2528x128xi32, #tpu.memory_space<hbm>>, %arg4: memref<2528x128xi32, #tpu.memory_space<hbm>>, %arg5: memref<632x128xf32, #tpu.memory_space<hbm>>, %arg6: memref<2x10112x128xf32, #tpu.memory_space<hbm>>, %arg7: memref<10112x128xf32, #tpu.memory_space<vmem_shared>>, %arg8: memref<128xi32, #tpu.memory_space<vmem>>, %arg9: memref<128xi32, #tpu.memory_space<vmem>>, %arg10: memref<128x128xf32, #tpu.memory_space<vmem>>, %arg11: memref<!tpu.dma_semaphore, #tpu.memory_space<semaphore_mem>>) attributes {dimension_semantics = [#tpu.dimension_semantics<core_parallel>, #tpu.dimension_semantics<subcore_parallel>], iteration_bounds = array<i64: 2, 16>, scalar_prefetch = 0 : i64, scratch_operands = 5 : i64, tpu.core_type = #tpu.core_type<sc_vector_subcore>, window_params = [{transform_indices = #map}, {transform_indices = #map}, {transform_indices = #map}, {transform_indices = #map}, {transform_indices = #map1}]} {
    %mul3A = arith.constant 632 : i32
    %mul3A_0 = arith.muli %arg1, %mul3A : i32
    "tpu.region"() ({
      %run_scoped3A = tpu.sem_alloc : memref<!tpu.dma_semaphore, #tpu.memory_space<semaphore_mem>>
      %dma_start3A = arith.constant 0 : i32
      %dma_start3A_15 = tpu.memref_slice %arg7[%mul3A_0, %dma_start3A] : memref<10112x128xf32, #tpu.memory_space<vmem_shared>> -> memref<632x128xf32, #tpu.memory_space<vmem_shared>>
      tpu.enqueue_dma source(%arg5 : memref<632x128xf32, #tpu.memory_space<hbm>>) target(%dma_start3A_15 : memref<632x128xf32, #tpu.memory_space<vmem_shared>>) target_semaphore(%run_scoped3A : memref<!tpu.dma_semaphore, #tpu.memory_space<semaphore_mem>>)
      %dma_wait3A = arith.constant 0 : i32
      %dma_wait3A_16 = tpu.memref_slice %arg7[%mul3A_0, %dma_wait3A] : memref<10112x128xf32, #tpu.memory_space<vmem_shared>> -> memref<632x128xf32, #tpu.memory_space<vmem_shared>>
      tpu.wait_dma2 semaphore(%run_scoped3A : memref<!tpu.dma_semaphore, #tpu.memory_space<semaphore_mem>>) src(%arg5 : memref<632x128xf32, #tpu.memory_space<hbm>>) dst(%dma_wait3A_16 : memref<632x128xf32, #tpu.memory_space<vmem_shared>>)
      tpu.yield
    }) : () -> ()
    %barrier3A = arith.constant 0 : index
    tpu.barrier barrier_id(%barrier3A)
    %mul3A_1 = arith.constant 16 : i32
    %mul3A_2 = arith.muli %arg0, %mul3A_1 : i32
    %add3A = arith.addi %mul3A_2, %arg1 : i32
    %mul3A_3 = arith.constant 79 : i32
    %mul3A_4 = arith.muli %add3A, %mul3A_3 : i32
    %scan3A = arith.constant 0 : i32
    %scan3A_5 = arith.constant 0 : i32
    %scan3A_6 = arith.constant 79 : i32
    %scan3A_7 = arith.addi %scan3A_5, %scan3A_6 : i32
    %scan3A_8 = arith.constant 1 : i32
    scf.for %scan3A_15 = %scan3A_5 to %scan3A_7 step %scan3A_8  : i32 {
      %add3A_16 = arith.addi %mul3A_4, %scan3A_15 : i32
      "tpu.region"() ({
        %run_scoped3A = tpu.sem_alloc : memref<!tpu.dma_semaphore, #tpu.memory_space<semaphore_mem>>
        %dma_start3A_22 = arith.constant 0 : i32
        %dma_start3A_23 = tpu.memref_slice %arg3[%add3A_16, %dma_start3A_22] : memref<2528x128xi32, #tpu.memory_space<hbm>> -> memref<1x128xi32, #tpu.memory_space<hbm>>
        %dma_start3A_24 = tpu.memref_squeeze %dma_start3A_23 : memref<1x128xi32, #tpu.memory_space<hbm>> -> memref<128xi32, #tpu.memory_space<hbm>>
        %dma_start3A_25 = arith.constant 0 : i32
        %dma_start3A_26 = tpu.memref_slice %arg3[%add3A_16, %dma_start3A_25] : memref<2528x128xi32, #tpu.memory_space<hbm>> -> memref<1x128xi32, #tpu.memory_space<hbm>>
        %dma_start3A_27 = tpu.memref_squeeze %dma_start3A_26 : memref<1x128xi32, #tpu.memory_space<hbm>> -> memref<128xi32, #tpu.memory_space<hbm>>
        tpu.enqueue_dma source(%dma_start3A_27 : memref<128xi32, #tpu.memory_space<hbm>>) target(%arg8 : memref<128xi32, #tpu.memory_space<vmem>>) target_semaphore(%run_scoped3A : memref<!tpu.dma_semaphore, #tpu.memory_space<semaphore_mem>>)
        %dma_wait3A_28 = arith.constant 0 : i32
        %dma_wait3A_29 = tpu.memref_slice %arg3[%add3A_16, %dma_wait3A_28] : memref<2528x128xi32, #tpu.memory_space<hbm>> -> memref<1x128xi32, #tpu.memory_space<hbm>>
        %dma_wait3A_30 = tpu.memref_squeeze %dma_wait3A_29 : memref<1x128xi32, #tpu.memory_space<hbm>> -> memref<128xi32, #tpu.memory_space<hbm>>
        %dma_wait3A_31 = arith.constant 0 : i32
        %dma_wait3A_32 = tpu.memref_slice %arg3[%add3A_16, %dma_wait3A_31] : memref<2528x128xi32, #tpu.memory_space<hbm>> -> memref<1x128xi32, #tpu.memory_space<hbm>>
        %dma_wait3A_33 = tpu.memref_squeeze %dma_wait3A_32 : memref<1x128xi32, #tpu.memory_space<hbm>> -> memref<128xi32, #tpu.memory_space<hbm>>
        tpu.wait_dma2 semaphore(%run_scoped3A : memref<!tpu.dma_semaphore, #tpu.memory_space<semaphore_mem>>) src(%dma_wait3A_33 : memref<128xi32, #tpu.memory_space<hbm>>) dst(%arg8 : memref<128xi32, #tpu.memory_space<vmem>>)
        tpu.yield
      }) : () -> ()
      %add3A_17 = arith.addi %mul3A_4, %scan3A_15 : i32
      "tpu.region"() ({
        %run_scoped3A = tpu.sem_alloc : memref<!tpu.dma_semaphore, #tpu.memory_space<semaphore_mem>>
        %dma_start3A_22 = arith.constant 0 : i32
        %dma_start3A_23 = tpu.memref_slice %arg4[%add3A_17, %dma_start3A_22] : memref<2528x128xi32, #tpu.memory_space<hbm>> -> memref<1x128xi32, #tpu.memory_space<hbm>>
        %dma_start3A_24 = tpu.memref_squeeze %dma_start3A_23 : memref<1x128xi32, #tpu.memory_space<hbm>> -> memref<128xi32, #tpu.memory_space<hbm>>
        %dma_start3A_25 = arith.constant 0 : i32
        %dma_start3A_26 = tpu.memref_slice %arg4[%add3A_17, %dma_start3A_25] : memref<2528x128xi32, #tpu.memory_space<hbm>> -> memref<1x128xi32, #tpu.memory_space<hbm>>
        %dma_start3A_27 = tpu.memref_squeeze %dma_start3A_26 : memref<1x128xi32, #tpu.memory_space<hbm>> -> memref<128xi32, #tpu.memory_space<hbm>>
        tpu.enqueue_dma source(%dma_start3A_27 : memref<128xi32, #tpu.memory_space<hbm>>) target(%arg9 : memref<128xi32, #tpu.memory_space<vmem>>) target_semaphore(%run_scoped3A : memref<!tpu.dma_semaphore, #tpu.memory_space<semaphore_mem>>)
        %dma_wait3A_28 = arith.constant 0 : i32
        %dma_wait3A_29 = tpu.memref_slice %arg4[%add3A_17, %dma_wait3A_28] : memref<2528x128xi32, #tpu.memory_space<hbm>> -> memref<1x128xi32, #tpu.memory_space<hbm>>
        %dma_wait3A_30 = tpu.memref_squeeze %dma_wait3A_29 : memref<1x128xi32, #tpu.memory_space<hbm>> -> memref<128xi32, #tpu.memory_space<hbm>>
        %dma_wait3A_31 = arith.constant 0 : i32
        %dma_wait3A_32 = tpu.memref_slice %arg4[%add3A_17, %dma_wait3A_31] : memref<2528x128xi32, #tpu.memory_space<hbm>> -> memref<1x128xi32, #tpu.memory_space<hbm>>
        %dma_wait3A_33 = tpu.memref_squeeze %dma_wait3A_32 : memref<1x128xi32, #tpu.memory_space<hbm>> -> memref<128xi32, #tpu.memory_space<hbm>>
        tpu.wait_dma2 semaphore(%run_scoped3A : memref<!tpu.dma_semaphore, #tpu.memory_space<semaphore_mem>>) src(%dma_wait3A_33 : memref<128xi32, #tpu.memory_space<hbm>>) dst(%arg9 : memref<128xi32, #tpu.memory_space<vmem>>)
        tpu.yield
      }) : () -> ()
      %dma_start3A = arith.constant 0 : i32
      %dma_start3A_18 = arith.constant 0 : i32
      %dma_start3A_19 = tpu.memref_slice %arg2[%dma_start3A, %dma_start3A_18] : memref<10112x128xf32, #tpu.memory_space<hbm>> -> memref<10112x128xf32, #tpu.memory_space<hbm>>
      tpu.enqueue_indirect_dma source(%dma_start3A_19 : memref<10112x128xf32, #tpu.memory_space<hbm>>) target(%arg10 : memref<128x128xf32, #tpu.memory_space<vmem>>) offsets(%arg8 : memref<128xi32, #tpu.memory_space<vmem>>) semaphore(%arg11 : memref<!tpu.dma_semaphore, #tpu.memory_space<semaphore_mem>>)
      %dma_wait3A = arith.constant 0 : i32
      %dma_wait3A_20 = arith.constant 0 : i32
      %dma_wait3A_21 = tpu.memref_slice %arg2[%dma_wait3A, %dma_wait3A_20] : memref<10112x128xf32, #tpu.memory_space<hbm>> -> memref<10112x128xf32, #tpu.memory_space<hbm>>
      tpu.wait_indirect_dma semaphore(%arg11 : memref<!tpu.dma_semaphore, #tpu.memory_space<semaphore_mem>>) src(%dma_wait3A_21 : memref<10112x128xf32, #tpu.memory_space<hbm>>) dst(%arg10 : memref<128x128xf32, #tpu.memory_space<vmem>>)
      "tpu.region"() ({
        %run_scoped3A = tpu.sem_alloc : memref<!tpu.dma_semaphore, #tpu.memory_space<semaphore_mem>>
        %dma_start3A_22 = arith.constant 0 : i32
        %dma_start3A_23 = arith.constant 0 : i32
        %dma_start3A_24 = tpu.memref_slice %arg7[%dma_start3A_22, %dma_start3A_23] : memref<10112x128xf32, #tpu.memory_space<vmem_shared>> -> memref<10112x128xf32, #tpu.memory_space<vmem_shared>>
        tpu.enqueue_indirect_dma source(%arg10 : memref<128x128xf32, #tpu.memory_space<vmem>>) target(%dma_start3A_24 : memref<10112x128xf32, #tpu.memory_space<vmem_shared>>) offsets(%arg9 : memref<128xi32, #tpu.memory_space<vmem>>) semaphore(%run_scoped3A : memref<!tpu.dma_semaphore, #tpu.memory_space<semaphore_mem>>) {add = true}
        %dma_wait3A_25 = arith.constant 0 : i32
        %dma_wait3A_26 = arith.constant 0 : i32
        %dma_wait3A_27 = tpu.memref_slice %arg7[%dma_wait3A_25, %dma_wait3A_26] : memref<10112x128xf32, #tpu.memory_space<vmem_shared>> -> memref<10112x128xf32, #tpu.memory_space<vmem_shared>>
        tpu.wait_indirect_dma semaphore(%run_scoped3A : memref<!tpu.dma_semaphore, #tpu.memory_space<semaphore_mem>>) src(%arg10 : memref<128x128xf32, #tpu.memory_space<vmem>>) dst(%dma_wait3A_27 : memref<10112x128xf32, #tpu.memory_space<vmem_shared>>)
        tpu.yield
      }) : () -> ()
    }
    %scan3A_9 = arith.constant 79 : i32
    %barrier3A_10 = arith.constant 0 : index
    tpu.barrier barrier_id(%barrier3A_10)
    %mul3A_11 = arith.constant 632 : i32
    %mul3A_12 = arith.muli %arg1, %mul3A_11 : i32
    %mul3A_13 = arith.constant 632 : i32
    %mul3A_14 = arith.muli %arg1, %mul3A_13 : i32
    "tpu.region"() ({
      %run_scoped3A = tpu.sem_alloc : memref<!tpu.dma_semaphore, #tpu.memory_space<semaphore_mem>>
      %dma_start3A = arith.constant 0 : i32
      %dma_start3A_15 = tpu.memref_slice %arg6[%arg0, %mul3A_14, %dma_start3A] : memref<2x10112x128xf32, #tpu.memory_space<hbm>> -> memref<1x632x128xf32, #tpu.memory_space<hbm>>
      %dma_start3A_16 = tpu.memref_squeeze %dma_start3A_15 : memref<1x632x128xf32, #tpu.memory_space<hbm>> -> memref<632x128xf32, #tpu.memory_space<hbm>>
      %dma_start3A_17 = arith.constant 0 : i32
      %dma_start3A_18 = tpu.memref_slice %arg7[%mul3A_12, %dma_start3A_17] : memref<10112x128xf32, #tpu.memory_space<vmem_shared>> -> memref<632x128xf32, #tpu.memory_space<vmem_shared>>
      tpu.enqueue_dma source(%dma_start3A_18 : memref<632x128xf32, #tpu.memory_space<vmem_shared>>) target(%dma_start3A_16 : memref<632x128xf32, #tpu.memory_space<hbm>>) target_semaphore(%run_scoped3A : memref<!tpu.dma_semaphore, #tpu.memory_space<semaphore_mem>>)
      %dma_wait3A = arith.constant 0 : i32
      %dma_wait3A_19 = tpu.memref_slice %arg6[%arg0, %mul3A_14, %dma_wait3A] : memref<2x10112x128xf32, #tpu.memory_space<hbm>> -> memref<1x632x128xf32, #tpu.memory_space<hbm>>
      %dma_wait3A_20 = tpu.memref_squeeze %dma_wait3A_19 : memref<1x632x128xf32, #tpu.memory_space<hbm>> -> memref<632x128xf32, #tpu.memory_space<hbm>>
      %dma_wait3A_21 = arith.constant 0 : i32
      %dma_wait3A_22 = tpu.memref_slice %arg7[%mul3A_12, %dma_wait3A_21] : memref<10112x128xf32, #tpu.memory_space<vmem_shared>> -> memref<632x128xf32, #tpu.memory_space<vmem_shared>>
      tpu.wait_dma2 semaphore(%run_scoped3A : memref<!tpu.dma_semaphore, #tpu.memory_space<semaphore_mem>>) src(%dma_wait3A_22 : memref<632x128xf32, #tpu.memory_space<vmem_shared>>) dst(%dma_wait3A_20 : memref<632x128xf32, #tpu.memory_space<hbm>>)
      tpu.yield
    }) : () -> ()
    return
  }
}

#map = affine_map<(d0, d1) -> (0, 0)>
#map1 = affine_map<(d0, d1) -> (0, 0, 0)>
module attributes {stable_mosaic.version = 14 : i64} {
  func.func @_sc_aggregate(%arg0: i32, %arg1: i32, %arg2: memref<10112x128xf32, #tpu.memory_space<hbm>>, %arg3: memref<2528x128xi32, #tpu.memory_space<hbm>>, %arg4: memref<2528x128xi32, #tpu.memory_space<hbm>>, %arg5: memref<632x128xf32, #tpu.memory_space<hbm>>, %arg6: memref<2x10112x128xf32, #tpu.memory_space<hbm>>, %arg7: memref<10112x128xf32, #tpu.memory_space<vmem_shared>>, %arg8: memref<128xi32, #tpu.memory_space<vmem>>, %arg9: memref<128xi32, #tpu.memory_space<vmem>>, %arg10: memref<128x128xf32, #tpu.memory_space<vmem>>, %arg11: memref<!tpu.dma_semaphore, #tpu.memory_space<semaphore_mem>>) attributes {dimension_semantics = [#tpu.dimension_semantics<core_parallel>, #tpu.dimension_semantics<subcore_parallel>], iteration_bounds = array<i64: 2, 16>, scalar_prefetch = 0 : i64, scratch_operands = 5 : i64, tpu.core_type = #tpu.core_type<sc_vector_subcore>, window_params = [{transform_indices = #map}, {transform_indices = #map}, {transform_indices = #map}, {transform_indices = #map}, {transform_indices = #map1}]} {
    %mul3A = arith.constant 632 : i32
    %mul3A_0 = arith.muli %arg1, %mul3A : i32
    "tpu.region"() ({
      %run_scoped3A = tpu.sem_alloc : memref<!tpu.dma_semaphore, #tpu.memory_space<semaphore_mem>>
      %dma_start3A = arith.constant 0 : i32
      %dma_start3A_15 = tpu.memref_slice %arg7[%mul3A_0, %dma_start3A] : memref<10112x128xf32, #tpu.memory_space<vmem_shared>> -> memref<632x128xf32, #tpu.memory_space<vmem_shared>>
      tpu.enqueue_dma source(%arg5 : memref<632x128xf32, #tpu.memory_space<hbm>>) target(%dma_start3A_15 : memref<632x128xf32, #tpu.memory_space<vmem_shared>>) target_semaphore(%run_scoped3A : memref<!tpu.dma_semaphore, #tpu.memory_space<semaphore_mem>>)
      %dma_wait3A = arith.constant 0 : i32
      %dma_wait3A_16 = tpu.memref_slice %arg7[%mul3A_0, %dma_wait3A] : memref<10112x128xf32, #tpu.memory_space<vmem_shared>> -> memref<632x128xf32, #tpu.memory_space<vmem_shared>>
      tpu.wait_dma2 semaphore(%run_scoped3A : memref<!tpu.dma_semaphore, #tpu.memory_space<semaphore_mem>>) src(%arg5 : memref<632x128xf32, #tpu.memory_space<hbm>>) dst(%dma_wait3A_16 : memref<632x128xf32, #tpu.memory_space<vmem_shared>>)
      tpu.yield
    }) : () -> ()
    %barrier3A = arith.constant 0 : index
    tpu.barrier barrier_id(%barrier3A)
    %mul3A_1 = arith.constant 16 : i32
    %mul3A_2 = arith.muli %arg0, %mul3A_1 : i32
    %add3A = arith.addi %mul3A_2, %arg1 : i32
    %mul3A_3 = arith.constant 79 : i32
    %mul3A_4 = arith.muli %add3A, %mul3A_3 : i32
    %scan3A = arith.constant 0 : i32
    %scan3A_5 = arith.constant 0 : i32
    %scan3A_6 = arith.constant 79 : i32
    %scan3A_7 = arith.addi %scan3A_5, %scan3A_6 : i32
    %scan3A_8 = arith.constant 1 : i32
    scf.for %scan3A_15 = %scan3A_5 to %scan3A_7 step %scan3A_8  : i32 {
      %add3A_16 = arith.addi %mul3A_4, %scan3A_15 : i32
      "tpu.region"() ({
        %run_scoped3A = tpu.sem_alloc : memref<!tpu.dma_semaphore, #tpu.memory_space<semaphore_mem>>
        %dma_start3A_22 = arith.constant 0 : i32
        %dma_start3A_23 = tpu.memref_slice %arg3[%add3A_16, %dma_start3A_22] : memref<2528x128xi32, #tpu.memory_space<hbm>> -> memref<1x128xi32, #tpu.memory_space<hbm>>
        %dma_start3A_24 = tpu.memref_squeeze %dma_start3A_23 : memref<1x128xi32, #tpu.memory_space<hbm>> -> memref<128xi32, #tpu.memory_space<hbm>>
        %dma_start3A_25 = arith.constant 0 : i32
        %dma_start3A_26 = tpu.memref_slice %arg3[%add3A_16, %dma_start3A_25] : memref<2528x128xi32, #tpu.memory_space<hbm>> -> memref<1x128xi32, #tpu.memory_space<hbm>>
        %dma_start3A_27 = tpu.memref_squeeze %dma_start3A_26 : memref<1x128xi32, #tpu.memory_space<hbm>> -> memref<128xi32, #tpu.memory_space<hbm>>
        tpu.enqueue_dma source(%dma_start3A_27 : memref<128xi32, #tpu.memory_space<hbm>>) target(%arg8 : memref<128xi32, #tpu.memory_space<vmem>>) target_semaphore(%run_scoped3A : memref<!tpu.dma_semaphore, #tpu.memory_space<semaphore_mem>>)
        %dma_wait3A_28 = arith.constant 0 : i32
        %dma_wait3A_29 = tpu.memref_slice %arg3[%add3A_16, %dma_wait3A_28] : memref<2528x128xi32, #tpu.memory_space<hbm>> -> memref<1x128xi32, #tpu.memory_space<hbm>>
        %dma_wait3A_30 = tpu.memref_squeeze %dma_wait3A_29 : memref<1x128xi32, #tpu.memory_space<hbm>> -> memref<128xi32, #tpu.memory_space<hbm>>
        %dma_wait3A_31 = arith.constant 0 : i32
        %dma_wait3A_32 = tpu.memref_slice %arg3[%add3A_16, %dma_wait3A_31] : memref<2528x128xi32, #tpu.memory_space<hbm>> -> memref<1x128xi32, #tpu.memory_space<hbm>>
        %dma_wait3A_33 = tpu.memref_squeeze %dma_wait3A_32 : memref<1x128xi32, #tpu.memory_space<hbm>> -> memref<128xi32, #tpu.memory_space<hbm>>
        tpu.wait_dma2 semaphore(%run_scoped3A : memref<!tpu.dma_semaphore, #tpu.memory_space<semaphore_mem>>) src(%dma_wait3A_33 : memref<128xi32, #tpu.memory_space<hbm>>) dst(%arg8 : memref<128xi32, #tpu.memory_space<vmem>>)
        tpu.yield
      }) : () -> ()
      %add3A_17 = arith.addi %mul3A_4, %scan3A_15 : i32
      "tpu.region"() ({
        %run_scoped3A = tpu.sem_alloc : memref<!tpu.dma_semaphore, #tpu.memory_space<semaphore_mem>>
        %dma_start3A_22 = arith.constant 0 : i32
        %dma_start3A_23 = tpu.memref_slice %arg4[%add3A_17, %dma_start3A_22] : memref<2528x128xi32, #tpu.memory_space<hbm>> -> memref<1x128xi32, #tpu.memory_space<hbm>>
        %dma_start3A_24 = tpu.memref_squeeze %dma_start3A_23 : memref<1x128xi32, #tpu.memory_space<hbm>> -> memref<128xi32, #tpu.memory_space<hbm>>
        %dma_start3A_25 = arith.constant 0 : i32
        %dma_start3A_26 = tpu.memref_slice %arg4[%add3A_17, %dma_start3A_25] : memref<2528x128xi32, #tpu.memory_space<hbm>> -> memref<1x128xi32, #tpu.memory_space<hbm>>
        %dma_start3A_27 = tpu.memref_squeeze %dma_start3A_26 : memref<1x128xi32, #tpu.memory_space<hbm>> -> memref<128xi32, #tpu.memory_space<hbm>>
        tpu.enqueue_dma source(%dma_start3A_27 : memref<128xi32, #tpu.memory_space<hbm>>) target(%arg9 : memref<128xi32, #tpu.memory_space<vmem>>) target_semaphore(%run_scoped3A : memref<!tpu.dma_semaphore, #tpu.memory_space<semaphore_mem>>)
        %dma_wait3A_28 = arith.constant 0 : i32
        %dma_wait3A_29 = tpu.memref_slice %arg4[%add3A_17, %dma_wait3A_28] : memref<2528x128xi32, #tpu.memory_space<hbm>> -> memref<1x128xi32, #tpu.memory_space<hbm>>
        %dma_wait3A_30 = tpu.memref_squeeze %dma_wait3A_29 : memref<1x128xi32, #tpu.memory_space<hbm>> -> memref<128xi32, #tpu.memory_space<hbm>>
        %dma_wait3A_31 = arith.constant 0 : i32
        %dma_wait3A_32 = tpu.memref_slice %arg4[%add3A_17, %dma_wait3A_31] : memref<2528x128xi32, #tpu.memory_space<hbm>> -> memref<1x128xi32, #tpu.memory_space<hbm>>
        %dma_wait3A_33 = tpu.memref_squeeze %dma_wait3A_32 : memref<1x128xi32, #tpu.memory_space<hbm>> -> memref<128xi32, #tpu.memory_space<hbm>>
        tpu.wait_dma2 semaphore(%run_scoped3A : memref<!tpu.dma_semaphore, #tpu.memory_space<semaphore_mem>>) src(%dma_wait3A_33 : memref<128xi32, #tpu.memory_space<hbm>>) dst(%arg9 : memref<128xi32, #tpu.memory_space<vmem>>)
        tpu.yield
      }) : () -> ()
      %dma_start3A = arith.constant 0 : i32
      %dma_start3A_18 = arith.constant 0 : i32
      %dma_start3A_19 = tpu.memref_slice %arg2[%dma_start3A, %dma_start3A_18] : memref<10112x128xf32, #tpu.memory_space<hbm>> -> memref<10112x128xf32, #tpu.memory_space<hbm>>
      tpu.enqueue_indirect_dma source(%dma_start3A_19 : memref<10112x128xf32, #tpu.memory_space<hbm>>) target(%arg10 : memref<128x128xf32, #tpu.memory_space<vmem>>) offsets(%arg8 : memref<128xi32, #tpu.memory_space<vmem>>) semaphore(%arg11 : memref<!tpu.dma_semaphore, #tpu.memory_space<semaphore_mem>>)
      %dma_wait3A = arith.constant 0 : i32
      %dma_wait3A_20 = arith.constant 0 : i32
      %dma_wait3A_21 = tpu.memref_slice %arg2[%dma_wait3A, %dma_wait3A_20] : memref<10112x128xf32, #tpu.memory_space<hbm>> -> memref<10112x128xf32, #tpu.memory_space<hbm>>
      tpu.wait_indirect_dma semaphore(%arg11 : memref<!tpu.dma_semaphore, #tpu.memory_space<semaphore_mem>>) src(%dma_wait3A_21 : memref<10112x128xf32, #tpu.memory_space<hbm>>) dst(%arg10 : memref<128x128xf32, #tpu.memory_space<vmem>>)
      "tpu.region"() ({
        %run_scoped3A = tpu.sem_alloc : memref<!tpu.dma_semaphore, #tpu.memory_space<semaphore_mem>>
        %dma_start3A_22 = arith.constant 0 : i32
        %dma_start3A_23 = arith.constant 0 : i32
        %dma_start3A_24 = tpu.memref_slice %arg7[%dma_start3A_22, %dma_start3A_23] : memref<10112x128xf32, #tpu.memory_space<vmem_shared>> -> memref<10112x128xf32, #tpu.memory_space<vmem_shared>>
        tpu.enqueue_indirect_dma source(%arg10 : memref<128x128xf32, #tpu.memory_space<vmem>>) target(%dma_start3A_24 : memref<10112x128xf32, #tpu.memory_space<vmem_shared>>) offsets(%arg9 : memref<128xi32, #tpu.memory_space<vmem>>) semaphore(%run_scoped3A : memref<!tpu.dma_semaphore, #tpu.memory_space<semaphore_mem>>) {add = true}
        %dma_wait3A_25 = arith.constant 0 : i32
        %dma_wait3A_26 = arith.constant 0 : i32
        %dma_wait3A_27 = tpu.memref_slice %arg7[%dma_wait3A_25, %dma_wait3A_26] : memref<10112x128xf32, #tpu.memory_space<vmem_shared>> -> memref<10112x128xf32, #tpu.memory_space<vmem_shared>>
        tpu.wait_indirect_dma semaphore(%run_scoped3A : memref<!tpu.dma_semaphore, #tpu.memory_space<semaphore_mem>>) src(%arg10 : memref<128x128xf32, #tpu.memory_space<vmem>>) dst(%dma_wait3A_27 : memref<10112x128xf32, #tpu.memory_space<vmem_shared>>)
        tpu.yield
      }) : () -> ()
    }
    %scan3A_9 = arith.constant 79 : i32
    %barrier3A_10 = arith.constant 0 : index
    tpu.barrier barrier_id(%barrier3A_10)
    %mul3A_11 = arith.constant 632 : i32
    %mul3A_12 = arith.muli %arg1, %mul3A_11 : i32
    %mul3A_13 = arith.constant 632 : i32
    %mul3A_14 = arith.muli %arg1, %mul3A_13 : i32
    "tpu.region"() ({
      %run_scoped3A = tpu.sem_alloc : memref<!tpu.dma_semaphore, #tpu.memory_space<semaphore_mem>>
      %dma_start3A = arith.constant 0 : i32
      %dma_start3A_15 = tpu.memref_slice %arg6[%arg0, %mul3A_14, %dma_start3A] : memref<2x10112x128xf32, #tpu.memory_space<hbm>> -> memref<1x632x128xf32, #tpu.memory_space<hbm>>
      %dma_start3A_16 = tpu.memref_squeeze %dma_start3A_15 : memref<1x632x128xf32, #tpu.memory_space<hbm>> -> memref<632x128xf32, #tpu.memory_space<hbm>>
      %dma_start3A_17 = arith.constant 0 : i32
      %dma_start3A_18 = tpu.memref_slice %arg7[%mul3A_12, %dma_start3A_17] : memref<10112x128xf32, #tpu.memory_space<vmem_shared>> -> memref<632x128xf32, #tpu.memory_space<vmem_shared>>
      tpu.enqueue_dma source(%dma_start3A_18 : memref<632x128xf32, #tpu.memory_space<vmem_shared>>) target(%dma_start3A_16 : memref<632x128xf32, #tpu.memory_space<hbm>>) target_semaphore(%run_scoped3A : memref<!tpu.dma_semaphore, #tpu.memory_space<semaphore_mem>>)
      %dma_wait3A = arith.constant 0 : i32
      %dma_wait3A_19 = tpu.memref_slice %arg6[%arg0, %mul3A_14, %dma_wait3A] : memref<2x10112x128xf32, #tpu.memory_space<hbm>> -> memref<1x632x128xf32, #tpu.memory_space<hbm>>
      %dma_wait3A_20 = tpu.memref_squeeze %dma_wait3A_19 : memref<1x632x128xf32, #tpu.memory_space<hbm>> -> memref<632x128xf32, #tpu.memory_space<hbm>>
      %dma_wait3A_21 = arith.constant 0 : i32
      %dma_wait3A_22 = tpu.memref_slice %arg7[%mul3A_12, %dma_wait3A_21] : memref<10112x128xf32, #tpu.memory_space<vmem_shared>> -> memref<632x128xf32, #tpu.memory_space<vmem_shared>>
      tpu.wait_dma2 semaphore(%run_scoped3A : memref<!tpu.dma_semaphore, #tpu.memory_space<semaphore_mem>>) src(%dma_wait3A_22 : memref<632x128xf32, #tpu.memory_space<vmem_shared>>) dst(%dma_wait3A_20 : memref<632x128xf32, #tpu.memory_space<hbm>>)
      tpu.yield
    }) : () -> ()
    return
  }
}

module attributes {stable_mosaic.version = 14 : i64} {
  func.func @_dense_body(%arg0: i32, %arg1: memref<2x1264x128xf32, #tpu.memory_space<vmem>>, %arg2: memref<1264x128xf32, #tpu.memory_space<vmem>>, %arg3: memref<1264x8xf32, #tpu.memory_space<vmem>>, %arg4: memref<128x128xf32, #tpu.memory_space<vmem>>, %arg5: memref<128x128xf32, #tpu.memory_space<vmem>>, %arg6: memref<1x128xf32, #tpu.memory_space<vmem>>, %arg7: memref<1x128xf32, #tpu.memory_space<vmem>>, %arg8: memref<1264x128xf32, #tpu.memory_space<vmem>>) attributes {dimension_semantics = [#tpu.dimension_semantics<arbitrary>], iteration_bounds = array<i64: 8>, scalar_prefetch = 0 : i64, scratch_operands = 0 : i64, tpu.core_type = #tpu.core_type<tc>, window_params = [{transform_indices = @transform_0, window_bounds = array<i64: 2, 1264, 128>}, {transform_indices = @transform_1, window_bounds = array<i64: 1264, 128>}, {transform_indices = @transform_2, window_bounds = array<i64: 1264, 8>}, {pipeline_mode = #tpu.pipeline_mode<synchronous>, transform_indices = @transform_3, window_bounds = array<i64: 128, 128>}, {pipeline_mode = #tpu.pipeline_mode<synchronous>, transform_indices = @transform_4, window_bounds = array<i64: 128, 128>}, {pipeline_mode = #tpu.pipeline_mode<synchronous>, transform_indices = @transform_5, window_bounds = array<i64: 1, 128>}, {pipeline_mode = #tpu.pipeline_mode<synchronous>, transform_indices = @transform_6, window_bounds = array<i64: 1, 128>}, {transform_indices = @transform_7, window_bounds = array<i64: 1264, 128>}]} {
    %get3A = arith.constant 0 : index
    %get3A_0 = arith.constant 0 : index
    %get3A_1 = vector.load %arg3[%get3A, %get3A_0] : memref<1264x8xf32, #tpu.memory_space<vmem>>, vector<1264x1xf32>
    %max3A = arith.constant 1.000000e+00 : f32
    %max3A_2 = vector.broadcast %max3A : f32 to vector<1264x1xf32>
    %max3A_3 = arith.maximumf %get3A_1, %max3A_2 : vector<1264x1xf32>
    %div3A = arith.constant 1.000000e+00 : f32
    %div3A_4 = vector.broadcast %div3A : f32 to vector<1264x1xf32>
    %div3A_5 = arith.divf %div3A_4, %max3A_3 : vector<1264x1xf32>
    %get3A_6 = arith.constant 0 : index
    %get3A_7 = arith.constant 0 : index
    %get3A_8 = arith.constant 0 : index
    %get3A_9 = vector.load %arg1[%get3A_6, %get3A_7, %get3A_8] : memref<2x1264x128xf32, #tpu.memory_space<vmem>>, vector<1x1264x128xf32>
    %get3A_10 = vector.shape_cast %get3A_9 : vector<1x1264x128xf32> to vector<1264x128xf32>
    %get3A_11 = arith.constant 1 : index
    %get3A_12 = arith.constant 0 : index
    %get3A_13 = arith.constant 0 : index
    %get3A_14 = vector.load %arg1[%get3A_11, %get3A_12, %get3A_13] : memref<2x1264x128xf32, #tpu.memory_space<vmem>>, vector<1x1264x128xf32>
    %get3A_15 = vector.shape_cast %get3A_14 : vector<1x1264x128xf32> to vector<1264x128xf32>
    %add3A = arith.addf %get3A_10, %get3A_15 : vector<1264x128xf32>
    %mul3A = vector.broadcast %div3A_5 : vector<1264x1xf32> to vector<1264x128xf32>
    %mul3A_16 = arith.mulf %add3A, %mul3A : vector<1264x128xf32>
    %get3A_17 = arith.constant 0 : index
    %get3A_18 = arith.constant 0 : index
    %get3A_19 = vector.load %arg4[%get3A_17, %get3A_18] : memref<128x128xf32, #tpu.memory_space<vmem>>, vector<128x128xf32>
    %dot_general3A = arith.constant dense<0.000000e+00> : vector<1264x128xf32>
    %dot_general3A_20 = tpu.matmul %mul3A_16, %get3A_19, %dot_general3A {dimension_numbers = #tpu.dot_dimension_numbers<[1], [0], [0], [1], [0, 0, 1, 1], [], []>, transpose_lhs_hint = false} : vector<1264x128xf32>, vector<128x128xf32>, vector<1264x128xf32> -> vector<1264x128xf32>
    %get3A_21 = arith.constant 0 : index
    %get3A_22 = arith.constant 0 : index
    %get3A_23 = vector.load %arg2[%get3A_21, %get3A_22] : memref<1264x128xf32, #tpu.memory_space<vmem>>, vector<1264x128xf32>
    %get3A_24 = arith.constant 0 : index
    %get3A_25 = arith.constant 0 : index
    %get3A_26 = vector.load %arg5[%get3A_24, %get3A_25] : memref<128x128xf32, #tpu.memory_space<vmem>>, vector<128x128xf32>
    %dot_general3A_27 = arith.constant dense<0.000000e+00> : vector<1264x128xf32>
    %dot_general3A_28 = tpu.matmul %get3A_23, %get3A_26, %dot_general3A_27 {dimension_numbers = #tpu.dot_dimension_numbers<[1], [0], [0], [1], [0, 0, 1, 1], [], []>, transpose_lhs_hint = false} : vector<1264x128xf32>, vector<128x128xf32>, vector<1264x128xf32> -> vector<1264x128xf32>
    %add3A_29 = arith.addf %dot_general3A_20, %dot_general3A_28 : vector<1264x128xf32>
    %get3A_30 = arith.constant 0 : index
    %get3A_31 = arith.constant 0 : index
    %get3A_32 = vector.load %arg6[%get3A_30, %get3A_31] : memref<1x128xf32, #tpu.memory_space<vmem>>, vector<1x128xf32>
    %add3A_33 = vector.broadcast %get3A_32 : vector<1x128xf32> to vector<1264x128xf32>
    %add3A_34 = arith.addf %add3A_29, %add3A_33 : vector<1264x128xf32>
    %ge3A = arith.constant 0.000000e+00 : f32
    %ge3A_35 = vector.broadcast %ge3A : f32 to vector<1264x128xf32>
    %ge3A_36 = arith.cmpf oge, %add3A_34, %ge3A_35 : vector<1264x128xf32>
    %get3A_37 = arith.constant 0 : index
    %get3A_38 = arith.constant 0 : index
    %get3A_39 = vector.load %arg7[%get3A_37, %get3A_38] : memref<1x128xf32, #tpu.memory_space<vmem>>, vector<1x128xf32>
    %mul3A_40 = vector.broadcast %get3A_39 : vector<1x128xf32> to vector<1264x128xf32>
    %mul3A_41 = arith.mulf %mul3A_40, %add3A_34 : vector<1264x128xf32>
    %select_n3A = arith.select %ge3A_36, %add3A_34, %mul3A_41 : vector<1264x128xi1>, vector<1264x128xf32>
    %swap3A = arith.constant 0 : index
    %swap3A_42 = arith.constant 0 : index
    %swap3A_43 = vector.load %arg8[%swap3A, %swap3A_42] : memref<1264x128xf32, #tpu.memory_space<vmem>>, vector<1264x128xf32>
    tpu.vector_store %arg8[%swap3A, %swap3A_42], %select_n3A {strides = array<i32>} : memref<1264x128xf32, #tpu.memory_space<vmem>>, vector<1264x128xf32>,
    return
  }
  func.func @transform_0(%arg0: i32) -> (i32, i32, i32) {
    %c0_i32 = arith.constant 0 : i32
    %c0_i32_0 = arith.constant 0 : i32
    %c0_i32_1 = arith.constant 0 : i32
    return %c0_i32, %arg0, %c0_i32_0 : i32, i32, i32
  }
  func.func @transform_1(%arg0: i32) -> (i32, i32) {
    %c0_i32 = arith.constant 0 : i32
    %c0_i32_0 = arith.constant 0 : i32
    return %arg0, %c0_i32 : i32, i32
  }
  func.func @transform_2(%arg0: i32) -> (i32, i32) {
    %c0_i32 = arith.constant 0 : i32
    %c0_i32_0 = arith.constant 0 : i32
    return %arg0, %c0_i32 : i32, i32
  }
  func.func @transform_3(%arg0: i32) -> (i32, i32) {
    %c0_i32 = arith.constant 0 : i32
    %c0_i32_0 = arith.constant 0 : i32
    %c0_i32_1 = arith.constant 0 : i32
    return %c0_i32, %c0_i32_0 : i32, i32
  }
  func.func @transform_4(%arg0: i32) -> (i32, i32) {
    %c0_i32 = arith.constant 0 : i32
    %c0_i32_0 = arith.constant 0 : i32
    %c0_i32_1 = arith.constant 0 : i32
    return %c0_i32, %c0_i32_0 : i32, i32
  }
  func.func @transform_5(%arg0: i32) -> (i32, i32) {
    %c0_i32 = arith.constant 0 : i32
    %c0_i32_0 = arith.constant 0 : i32
    %c0_i32_1 = arith.constant 0 : i32
    return %c0_i32, %c0_i32_0 : i32, i32
  }
  func.func @transform_6(%arg0: i32) -> (i32, i32) {
    %c0_i32 = arith.constant 0 : i32
    %c0_i32_0 = arith.constant 0 : i32
    %c0_i32_1 = arith.constant 0 : i32
    return %c0_i32, %c0_i32_0 : i32, i32
  }
  func.func @transform_7(%arg0: i32) -> (i32, i32) {
    %c0_i32 = arith.constant 0 : i32
    %c0_i32_0 = arith.constant 0 : i32
    return %arg0, %c0_i32 : i32, i32
  }
}

module attributes {stable_mosaic.version = 14 : i64} {
  func.func @_dense_body(%arg0: i32, %arg1: memref<2x1000x128xf32, #tpu.memory_space<vmem>>, %arg2: memref<1000x128xf32, #tpu.memory_space<vmem>>, %arg3: memref<1000x8xf32, #tpu.memory_space<vmem>>, %arg4: memref<128x128xf32, #tpu.memory_space<vmem>>, %arg5: memref<128x128xf32, #tpu.memory_space<vmem>>, %arg6: memref<1x128xf32, #tpu.memory_space<vmem>>, %arg7: memref<1x128xf32, #tpu.memory_space<vmem>>, %arg8: memref<1000x128xf32, #tpu.memory_space<vmem>>) attributes {dimension_semantics = [#tpu.dimension_semantics<arbitrary>], iteration_bounds = array<i64: 10>, scalar_prefetch = 0 : i64, scratch_operands = 0 : i64, tpu.core_type = #tpu.core_type<tc>, window_params = [{transform_indices = @transform_0, window_bounds = array<i64: 2, 1000, 128>}, {transform_indices = @transform_1, window_bounds = array<i64: 1000, 128>}, {transform_indices = @transform_2, window_bounds = array<i64: 1000, 8>}, {pipeline_mode = #tpu.pipeline_mode<synchronous>, transform_indices = @transform_3, window_bounds = array<i64: 128, 128>}, {pipeline_mode = #tpu.pipeline_mode<synchronous>, transform_indices = @transform_4, window_bounds = array<i64: 128, 128>}, {pipeline_mode = #tpu.pipeline_mode<synchronous>, transform_indices = @transform_5, window_bounds = array<i64: 1, 128>}, {pipeline_mode = #tpu.pipeline_mode<synchronous>, transform_indices = @transform_6, window_bounds = array<i64: 1, 128>}, {transform_indices = @transform_7, window_bounds = array<i64: 1000, 128>}]} {
    %get3A = arith.constant 0 : index
    %get3A_0 = arith.constant 0 : index
    %get3A_1 = vector.load %arg3[%get3A, %get3A_0] : memref<1000x8xf32, #tpu.memory_space<vmem>>, vector<1000x1xf32>
    %max3A = arith.constant 1.000000e+00 : f32
    %max3A_2 = vector.broadcast %max3A : f32 to vector<1000x1xf32>
    %max3A_3 = arith.maximumf %get3A_1, %max3A_2 : vector<1000x1xf32>
    %div3A = arith.constant 1.000000e+00 : f32
    %div3A_4 = vector.broadcast %div3A : f32 to vector<1000x1xf32>
    %div3A_5 = arith.divf %div3A_4, %max3A_3 : vector<1000x1xf32>
    %get3A_6 = arith.constant 0 : index
    %get3A_7 = arith.constant 0 : index
    %get3A_8 = arith.constant 0 : index
    %get3A_9 = vector.load %arg1[%get3A_6, %get3A_7, %get3A_8] : memref<2x1000x128xf32, #tpu.memory_space<vmem>>, vector<1x1000x128xf32>
    %get3A_10 = vector.shape_cast %get3A_9 : vector<1x1000x128xf32> to vector<1000x128xf32>
    %get3A_11 = arith.constant 1 : index
    %get3A_12 = arith.constant 0 : index
    %get3A_13 = arith.constant 0 : index
    %get3A_14 = vector.load %arg1[%get3A_11, %get3A_12, %get3A_13] : memref<2x1000x128xf32, #tpu.memory_space<vmem>>, vector<1x1000x128xf32>
    %get3A_15 = vector.shape_cast %get3A_14 : vector<1x1000x128xf32> to vector<1000x128xf32>
    %add3A = arith.addf %get3A_10, %get3A_15 : vector<1000x128xf32>
    %mul3A = vector.broadcast %div3A_5 : vector<1000x1xf32> to vector<1000x128xf32>
    %mul3A_16 = arith.mulf %add3A, %mul3A : vector<1000x128xf32>
    %get3A_17 = arith.constant 0 : index
    %get3A_18 = arith.constant 0 : index
    %get3A_19 = vector.load %arg4[%get3A_17, %get3A_18] : memref<128x128xf32, #tpu.memory_space<vmem>>, vector<128x128xf32>
    %dot_general3A = arith.constant dense<0.000000e+00> : vector<1000x128xf32>
    %dot_general3A_20 = tpu.matmul %mul3A_16, %get3A_19, %dot_general3A {dimension_numbers = #tpu.dot_dimension_numbers<[1], [0], [0], [1], [0, 0, 1, 1], [], []>, transpose_lhs_hint = false} : vector<1000x128xf32>, vector<128x128xf32>, vector<1000x128xf32> -> vector<1000x128xf32>
    %get3A_21 = arith.constant 0 : index
    %get3A_22 = arith.constant 0 : index
    %get3A_23 = vector.load %arg2[%get3A_21, %get3A_22] : memref<1000x128xf32, #tpu.memory_space<vmem>>, vector<1000x128xf32>
    %get3A_24 = arith.constant 0 : index
    %get3A_25 = arith.constant 0 : index
    %get3A_26 = vector.load %arg5[%get3A_24, %get3A_25] : memref<128x128xf32, #tpu.memory_space<vmem>>, vector<128x128xf32>
    %dot_general3A_27 = arith.constant dense<0.000000e+00> : vector<1000x128xf32>
    %dot_general3A_28 = tpu.matmul %get3A_23, %get3A_26, %dot_general3A_27 {dimension_numbers = #tpu.dot_dimension_numbers<[1], [0], [0], [1], [0, 0, 1, 1], [], []>, transpose_lhs_hint = false} : vector<1000x128xf32>, vector<128x128xf32>, vector<1000x128xf32> -> vector<1000x128xf32>
    %add3A_29 = arith.addf %dot_general3A_20, %dot_general3A_28 : vector<1000x128xf32>
    %get3A_30 = arith.constant 0 : index
    %get3A_31 = arith.constant 0 : index
    %get3A_32 = vector.load %arg6[%get3A_30, %get3A_31] : memref<1x128xf32, #tpu.memory_space<vmem>>, vector<1x128xf32>
    %add3A_33 = vector.broadcast %get3A_32 : vector<1x128xf32> to vector<1000x128xf32>
    %add3A_34 = arith.addf %add3A_29, %add3A_33 : vector<1000x128xf32>
    %ge3A = arith.constant 0.000000e+00 : f32
    %ge3A_35 = vector.broadcast %ge3A : f32 to vector<1000x128xf32>
    %ge3A_36 = arith.cmpf oge, %add3A_34, %ge3A_35 : vector<1000x128xf32>
    %get3A_37 = arith.constant 0 : index
    %get3A_38 = arith.constant 0 : index
    %get3A_39 = vector.load %arg7[%get3A_37, %get3A_38] : memref<1x128xf32, #tpu.memory_space<vmem>>, vector<1x128xf32>
    %mul3A_40 = vector.broadcast %get3A_39 : vector<1x128xf32> to vector<1000x128xf32>
    %mul3A_41 = arith.mulf %mul3A_40, %add3A_34 : vector<1000x128xf32>
    %select_n3A = arith.select %ge3A_36, %add3A_34, %mul3A_41 : vector<1000x128xi1>, vector<1000x128xf32>
    %swap3A = arith.constant 0 : index
    %swap3A_42 = arith.constant 0 : index
    %swap3A_43 = vector.load %arg8[%swap3A, %swap3A_42] : memref<1000x128xf32, #tpu.memory_space<vmem>>, vector<1000x128xf32>
    tpu.vector_store %arg8[%swap3A, %swap3A_42], %select_n3A {strides = array<i32>} : memref<1000x128xf32, #tpu.memory_space<vmem>>, vector<1000x128xf32>,
    return
  }
  func.func @transform_0(%arg0: i32) -> (i32, i32, i32) {
    %c0_i32 = arith.constant 0 : i32
    %c0_i32_0 = arith.constant 0 : i32
    %c0_i32_1 = arith.constant 0 : i32
    return %c0_i32, %arg0, %c0_i32_0 : i32, i32, i32
  }
  func.func @transform_1(%arg0: i32) -> (i32, i32) {
    %c0_i32 = arith.constant 0 : i32
    %c0_i32_0 = arith.constant 0 : i32
    return %arg0, %c0_i32 : i32, i32
  }
  func.func @transform_2(%arg0: i32) -> (i32, i32) {
    %c0_i32 = arith.constant 0 : i32
    %c0_i32_0 = arith.constant 0 : i32
    return %arg0, %c0_i32 : i32, i32
  }
  func.func @transform_3(%arg0: i32) -> (i32, i32) {
    %c0_i32 = arith.constant 0 : i32
    %c0_i32_0 = arith.constant 0 : i32
    %c0_i32_1 = arith.constant 0 : i32
    return %c0_i32, %c0_i32_0 : i32, i32
  }
  func.func @transform_4(%arg0: i32) -> (i32, i32) {
    %c0_i32 = arith.constant 0 : i32
    %c0_i32_0 = arith.constant 0 : i32
    %c0_i32_1 = arith.constant 0 : i32
    return %c0_i32, %c0_i32_0 : i32, i32
  }
  func.func @transform_5(%arg0: i32) -> (i32, i32) {
    %c0_i32 = arith.constant 0 : i32
    %c0_i32_0 = arith.constant 0 : i32
    %c0_i32_1 = arith.constant 0 : i32
    return %c0_i32, %c0_i32_0 : i32, i32
  }
  func.func @transform_6(%arg0: i32) -> (i32, i32) {
    %c0_i32 = arith.constant 0 : i32
    %c0_i32_0 = arith.constant 0 : i32
    %c0_i32_1 = arith.constant 0 : i32
    return %c0_i32, %c0_i32_0 : i32, i32
  }
  func.func @transform_7(%arg0: i32) -> (i32, i32) {
    %c0_i32 = arith.constant 0 : i32
    %c0_i32_0 = arith.constant 0 : i32
    return %arg0, %c0_i32 : i32, i32
  }
}

</mosaic_0001>

<sc_bundles>
// kernel: kernel.11.cloned.1.call-start
scs
__scs_entry_jumppad:
0x0: {  	(pc) =	sbr.rel $0x88, $3  }
0x1: {  	(tag) =	ssettag $0x0;
	lr =	simm.s32 $0x1  }
0x2: {  	[smem:$0x3F8F] =	sst lr;
	_ =	strace $0xD0000000  }
0x3: {  	_ = 	snop  }
0x4: {  	_ = 	snop  }
0x5: {  	_ = 	snop  }
0x6: {  	_ = 	snop  }
0x7: {  	_ = 	snop  }
__scs_overlays_trampoline_lowered:
0x8: {  	[smem:$0x3F9E] =	sst s0  }
0x9: {  	[smem:$0x3F9F] =	sst s1  }
0xa: {  	[smem:$0x3FA0] =	sst s2  }
0xb: {  	[smem:$0x3FA1] =	sst s3  }
0xc: {  	[smem:$0x3FA2] =	sst s4  }
0xd: {  	[smem:$0x3FA3] =	sst s5  }
0xe: {  	[smem:$0x3FA4] =	sst s6  }
0xf: {  	[smem:$0x3FA5] =	sst s7  }
0x10: {  	[smem:$0x3FA6] =	sst s8  }
0x11: {  	[smem:$0x3FA7] =	sst s9;
	s0 =	simm.s32 @!p0 $0x0  }
0x12: {  	s1 =	sld [smem:$0x3F8D];
	s0 =	simm.s32 @p0 $0x1  }
0x13: {  	[smem:$0x3FA8] =	sst s0;
	s0 =	simm.s32 @!p1 $0x0  }
0x14: {  	s2 =	sld [smem:$0x3F8C];
	s0 =	simm.s32 @p1 $0x1  }
0x15: {  	[smem:$0x3FA9] =	sst s0;
	s0 =	simm.s32 @!p2 $0x0  }
0x16: {  	s3 =	sld [smem:$0x3FDB];
	s0 =	simm.s32 @p2 $0x1  }
0x17: {  	s4 =	simm.s32 $0x1BF5;
	[smem:$0x3FAB] =	sst s0  }
0x18: {  	s0 =	sld [smem:$0x3F8E];
	_ =	swait.ge [sflag:s4], $0x0  }
0x19: {  	s7 =	sld [smem:$0x3F8F]  }
0x1a: {  	s8 =	sadd.s32 $0xFFFFE003, lr  }
0x1b: {  	s9 =	sadd.s32 $0xFFFFFEF7, lr;
	s5 =	simm.s32 $0xFFFFFFFF;
	p2 =	slt.u32 s8, $0xFFFFF086  }
0x1c: {  	p1 =	slt.u32 s9, $0xF7A;
	s5 =	simm.s32 @!p2 $0x0  }
0x1d: {  	s5 =	simm.s32 @p1 $0x1;
	p0 =	seq.s32 s7, s2  }
0x1e: {  	s7 =	smul.u32 @!p0 $0xF7A, s2;
	p2 =	seq.s32 @!p0 s5, $0x0  }
0x1f: {  	s9 =	smul.u32 $0xF7A, s1;
	s8 =	simm.s32 @!p0 $0x1BF5;
	p2 =	por !p2, p0  }
0x20: {  	[sflag:s8] =	ssyncset.s32 @!p0 $0xFFFFF086;
	s6 =	sadd.s32 @!p0 s3, s7;
	s7 =	simm.s32 @!p0 $0x108  }
0x21: {  	s3 =	sadd.s32 s3, s9;
	s6 =	sadd.s32 @!p0 $0x88, s6;
	s7 =	simm.s32 @p2 $0x1082  }
0x22: {  	[simem:s7], [sflag:s8] =	dma.local @!p0 [hbm:s6], $0xF7A  }
0x23: {  	s9 =	sor.u32 $0xD0000000, s2;
	s6 =	simm.s32 $0x108;
	_ =	swait.ge @!p0 [sflag:s8], $0x0  }
0x24: {  	s3 =	sadd.s32 $0x88, s3;
	s6 =	simm.s32 @!p1 $0x1082;
	[sflag:s4] =	ssyncset.s32 $0xFFFFF086  }
0x25: {  	[simem:s6], [sflag:s4] =	dma.local [hbm:s3], $0xF7A  }
0x26: {  	[smem:$0x3F8F] =	sst s1;
	(tag) =	ssettag s2;
	_ =	strace s9  }
0x27: {  	s1 =	sld [smem:$0x3F9F]  }
0x28: {  	s2 =	sld [smem:$0x3FA0]  }
0x29: {  	s4 =	sld [smem:$0x3FA2]  }
0x2a: {  	p0 =	seq.s32 s5, $0x0;
	s5 =	sld [smem:$0x3FA3]  }
0x2b: {  	s6 =	sld [smem:$0x3FA4]  }
0x2c: {  	s7 =	sld [smem:$0x3FA5]  }
0x2d: {  	s3 =	simm.s32 $0x108;
	s8 =	sld [smem:$0x3FA6]  }
0x2e: {  	s3 =	simm.s32 @!p0 $0x1082;
	s9 =	sld [smem:$0x3FA7]  }
0x2f: {  	lr =	sadd.s32 s0, s3;
	s0 =	sld [smem:$0x3F9E]  }
0x30: {  	s3 =	sld [smem:$0x3FA1]  }
0x31: {  	[smem:$0x3FAA] =	sst s10  }
0x32: {  	s10 =	sld [smem:$0x3FA8];
	_ =	sdelay $0x3  }
0x33: {  	p0 =	seq.s32 s10, $0x1;
	s10 =	sld [smem:$0x3FAA];
	_ =	sdelay $0x3  }
0x34: {  	[smem:$0x3FAA] =	sst s10  }
0x35: {  	s10 =	sld [smem:$0x3FA9];
	_ =	sdelay $0x3  }
0x36: {  	p1 =	seq.s32 s10, $0x1;
	s10 =	sld [smem:$0x3FAA];
	_ =	sdelay $0x3  }
0x37: {  	[smem:$0x3FAA] =	sst s10  }
0x38: {  	s10 =	sld [smem:$0x3FAB]  }
0x39: {  	_ = 	snop;
	(pc) =	sbr.ind lr, $3  }
0x3a: {  	_ = 	snop  }
0x3b: {  	_ = 	snop  }
0x3c: {  	p2 =	seq.s32 s10, $0x1;
	s10 =	sld [smem:$0x3FAA]  }
0x3d: {  	_ =	shalt  }
0x3e: {  	_ =	shalt  }
0x3f: {  	_ =	shalt  }
0x40: {  	_ =	shalt  }
0x41: {  	_ =	shalt  }
0x42: {  	_ =	shalt  }
0x43: {  	_ =	shalt  }
0x44: {  	_ =	shalt  }
0x45: {  	_ =	shalt  }
0x46: {  	_ =	shalt  }
0x47: {  	_ =	shalt  }
0x48: {  	_ =	shalt  }
0x49: {  	_ =	shalt  }
0x4a: {  	_ =	shalt  }
0x4b: {  	_ =	shalt  }
0x4c: {  	_ =	shalt  }
0x4d: {  	_ =	shalt  }
0x4e: {  	_ =	shalt  }
0x4f: {  	_ =	shalt  }
0x50: {  	_ =	shalt  }
0x51: {  	_ =	shalt  }
0x52: {  	_ =	shalt  }
0x53: {  	_ =	shalt  }
0x54: {  	_ =	shalt  }
0x55: {  	_ =	shalt  }
0x56: {  	_ =	shalt  }
0x57: {  	_ =	shalt  }
0x58: {  	_ =	shalt  }
0x59: {  	_ =	shalt  }
0x5a: {  	_ =	shalt  }
0x5b: {  	_ =	shalt  }
0x5c: {  	_ =	shalt  }
0x5d: {  	_ =	shalt  }
0x5e: {  	_ =	shalt  }
0x5f: {  	_ =	shalt  }
0x60: {  	_ =	shalt  }
0x61: {  	_ =	shalt  }
0x62: {  	_ =	shalt  }
0x63: {  	_ =	shalt  }
0x64: {  	_ =	shalt  }
0x65: {  	_ =	shalt  }
0x66: {  	_ =	shalt  }
0x67: {  	_ =	shalt  }
0x68: {  	_ =	shalt  }
0x69: {  	_ =	shalt  }
0x6a: {  	_ =	shalt  }
0x6b: {  	_ =	shalt  }
0x6c: {  	_ =	shalt  }
0x6d: {  	_ =	shalt  }
0x6e: {  	_ =	shalt  }
0x6f: {  	_ =	shalt  }
0x70: {  	_ =	shalt  }
0x71: {  	_ =	shalt  }
0x72: {  	_ =	shalt  }
0x73: {  	_ =	shalt  }
0x74: {  	_ =	shalt  }
0x75: {  	_ =	shalt  }
0x76: {  	_ =	shalt  }
0x77: {  	_ =	shalt  }
0x78: {  	_ =	shalt  }
0x79: {  	_ =	shalt  }
0x7a: {  	_ =	shalt  }
0x7b: {  	_ =	shalt  }
0x7c: {  	_ =	shalt  }
0x7d: {  	_ =	shalt  }
0x7e: {  	_ =	shalt  }
0x7f: {  	_ =	shalt  }
0x80: {  	_ =	shalt  }
0x81: {  	_ =	shalt  }
0x82: {  	_ =	shalt  }
0x83: {  	_ =	shalt  }
0x84: {  	_ =	shalt  }
0x85: {  	_ =	shalt  }
0x86: {  	_ =	shalt  }
0x87: {  	_ =	shalt  }
.Lfunc_end0:
.L_simem_size_0:
called_computation_lowered:
.L_overlay_start_0:
0x88: {  	s2 =	sld [smem:$0x3FD9]  }
0x89: {  	s3 =	sld [smem:$0x3FFE];
	_ =	sdelay $0x1  }
0x8a: {  	s1 =	srdreg.scid  }
0x8b: {  	s0 =	sand.u32 $0x1, s1  }
0x8c: {  	s16 =	sshll.u32 s0, $0xA;
	s2 =	sadd.s32 s3, s2  }
0x8d: {  	s2 =	sadd.s32 s2, s16  }
0x8e: {  	[smem:$0x3FB6] =	sst s2  }
0x8f: {  	_ = 	snop  }
0x90: {  	(tm) =	ssettm $0x1  }
0x91: {  	s17 =	sld [smem:$0x3FFB];
	_ =	sdelay $0x3  }
0x92: {  	_ =	strace s17  }
0x93: {  	s2 =	sld [smem:$0x3FFC];
	_ =	sdelay $0x3  }
0x94: {  	_ =	strace s2  }
0x95: {  	s2 =	sld [smem:$0x3FFD];
	_ =	sdelay $0x3  }
0x96: {  	_ =	strace s2  }
0x97: {  	_ =	strace $0x8FFFFFFF  }
0x98: {  	s18 =	sld [smem:$0x3FDB];
	_ =	sdelay $0x1  }
0x99: {  	s19 =	simm.s32 $_scs_section_size  }
0x9a: {  	s4 =	simm.s32 $_size__tile_overlayer_lowered;
	s5 =	simm.s32 $_tile_overlayer_lowered  }
0x9b: {  	s22 =	simm.s32 $0x1BFF;
	s21 =	sshll.u32 s5, $0x1;
	s2 =	sadd.s32 s19, s18  }
0x9c: {  	s6 =	simm.s32 $0x0;
	s20 =	sshll.u32 s4, $0x1;
	s4 =	sadd.s32 s21, s2  }
0x9d: {  	[timem:s6], [sflag:s22] =	dma.local [hbm:s4], s20  }
0x9e: {  	_ =	swait.ge [sflag:s22], s20  }
0x9f: {  	s3 =	ssub.s32 $0x0, s20;
	[sflag:s22] =	ssyncset.done $0x0  }
0xa0: {  	[sflag:s22] =	ssyncadd.s32 s3;
	_ =	sdelay $0x1  }
0xa1: {  	s23 =	simm.s32 $0x1B8B  }
0xa2: {  	_ =	swait.ge [sflag:s23], $0x1  }
0xa3: {  	[sflag:s23] =	ssyncset.done $0x0  }
0xa4: {  	s25 =	simm.s32 $0x1B8E;
	s24 =	sld [smem:$0x3FFE];
	[sflag:s23] =	ssyncadd.s32 $0xFFFFFFFF  }
0xa5: {  	s26 =	simm.s32 $execute0_lowered;
	[smem:$0x3FD2] =	sst s25  }
0xa6: {  	s4 =	sshll.u32 s26, $0x1;
	_ =	strace $0x80000046;
	[dreg:$0x1] =	wrdreg $0xFFFFFFFF  }
0xa7: {  	s28 =	simm.s32 $_size_execute0_lowered;
	s2 =	sadd.s32 s2, s4;
	[dreg:$0x0] =	wrdreg $0x0  }
0xa8: {  	s4 =	sshll.u32 s28, $0x1;
	[dreg:$0x2] =	wrdreg s2  }
0xa9: {  	[dreg:$0x3] =	wrdreg s4  }
0xaa: {  	[dreg:$0x4] =	wrdreg $0xC0  }
0xab: {  	_ =	task [dreg:s6], $0x5FFFF  }
0xac: {  	[dreg:$0x1] =	wrdreg $0xFFFFFFFF  }
0xad: {  	[dreg:$0x0] =	wrdreg $0x60  }
0xae: {  	[dreg:$0x2] =	wrdreg s24  }
0xaf: {  	[dreg:$0x3] =	wrdreg $0x0  }
0xb0: {  	[dreg:$0x4] =	wrdreg $0x9  }
0xb1: {  	_ =	task.clear_ibuf [dreg:s6], $0x5FFFF;
	_ =	strace $0x90000046  }
0xb2: {  	s29 =	simm.s32 $0x9;
	_ =	strace $0x80000048  }
0xb3: {  	_ =	swait.ge [sflag:s29], $0x1  }
0xb4: {  	[sflag:s29] =	ssyncadd.s32 $0xFFFFFFFF  }
0xb5: {  	_ =	strace $0x90000048  }
0xb6: {  	_ =	sfence  }
0xb7: {  	s30 =	sld [smem:$0x0];
	_ =	sdelay $0x2  }
0xb8: {  	s31 =	sshll.u32 s1, $0xD;
	s1 =	sshrl.u32 s1, $0x2  }
0xb9: {  	s3 =	sand.u32 $0x4000, s31;
	s1 =	sadd.s32 s1, s30  }
0xba: {  	s0 =	sor.u32 s3, s0;
	s1 =	sshll.u32 s1, $0x11  }
0xbb: {  	s0 =	sor.u32 s1, s0  }
0xbc: {  	s0 =	sadd.s32 $0x8F2B, s0  }
0xbd: {  	[sflag:s0] =	ssyncadd.remote.s32 $0x1  }
0xbe: {  	_ =	sfence.sel $0xFFFF  }
0xbf: {  	[dreg:$0x0] =	wrdreg $0xFFFFFFFF;
	(pc) =	sbr.abs _section_cstart, $3  }
0xc0: {  	[dreg:$0x1] =	wrdreg $0xFFFFFFFF  }
0xc1: {  	_ =	task.clear_ibuf [dreg:s6], $0x2FFFF;
	_ =	strace $0x9FFFFFFF  }
0xc2: {  	(tm) =	ssettm $0x7FFFFFFF  }
0xc3: {  	_ =	shalt  }
tec
execute0_lowered:
.L_overlay_start_1:
0x0: {  	(tag) =	ssettag $0x1  }
0x1: {  	s1 =	srdreg.scid  }
0x2: {  	s1 =	sand.u32 $0x1, s1  }
0x3: {  	p0 =	seq.s32 s1, $0x1  }
.Ltmp0:
0x4: {  	_ = 	snop;
	(pc) =	sbr.rel @p0 .LBB2_4-.Ltmp0, $4  }
0x5: {  	s10 =	rddreg [dreg:$0x0]  }
0x6: {  	s2 =	rddreg [dreg:$0x1];
	s3 =	simm.s32 $0x0  }
0x7: {  	[smem:$0x7FF] =	sst s3  }
0x8: {  	s0 =	rddreg [dreg:$0x2];
	_ =	strace $0x80000047;
	s1 =	stileid.u32  }
0x9: {  	s4 =	smul.u32 $0x4F000, s1;
	_ =	sdelay $0x1  }
0xa: {  	s4 =	sshrl.u32 s4, $0x2  }
0xb: {  	s28 =	sshll.u32 s1, $0x6;
	s5 =	sadd.s32 s4, s2  }
0xc: {  	s6 =	sadd.s32 $0xFA00, s10;
	s4 =	sor.u32 $0x1C01, s28;
	s5 =	sshrl.u32 s5, $0x3  }
0xd: {  	[spmem:s5], [sflag:s4] =	dma.local [hbm:s6], $0x2780  }
0xe: {  	s6 =	simm.s32 $0x1  }
0xf: {  	_ =	swait.ge [sflag:s6], $0x2780  }
0x10: {  	[sflag:s6] =	ssyncset.done $0x0  }
0x11: {  	s8 =	sadd.s32 $0xF200, s10;
	s7 =	simm.s32 $0x13C80;
	[sflag:s6] =	ssyncadd.s32 $0xFFFFD880  }
0x12: {  	[tilespmem:s7], [sflag:$0x1] =	stream.linear.gather [hbm4b:s8+s3], $0x4000, $0x38;
	[tilespmem:$0x17C80] =	vst v63  }
0x13: {  	s29 =	smul.u32 $0x9E0, s1;
	_ =	swait.ge [sflag:s6], $0x4000  }
0x14: {  	s9 =	sadd.s32 $0x5400, s10;
	[sflag:s6] =	ssyncset.done $0x0  }
0x15: {  	s9 =	sadd.s32 s29, s9;
	[sflag:s6] =	ssyncadd.s32 $0xFFFFC000  }
0x16: {  	s11 =	sadd.s32 $0x0, s9;
	s8 =	simm.s32 $0x13C00;
	[bflag:$0x0] =	sbarrier.arrive $0xFFFF  }
0x17: {  	[tilespmem:s8], [sflag:$0x1] =	stream.linear.gather [hbm4b:s11+s3], $0x80, $0x38;
	[tilespmem:$0x17C80] =	vst v63  }
0x18: {  	_ =	swait.ge [sflag:s6], $0x80  }
0x19: {  	[sflag:s6] =	ssyncset.done $0x0  }
0x1a: {  	s30 =	smul.u32 $0x2780, s1;
	s11 =	simm.s32 $0x80;
	[sflag:s6] =	ssyncadd.s32 $0xFFFFFF80  }
0x1b: {  	[spmem:s2] =	stream.indirect.scatter.add.f32 [tilespmem:s7], [sflag:$0x1], $0x80, s8, s11, $0xb8;
	[tilespmem:$0x17C80] =	vst v63  }
0x1c: {  	s12 =	simm.s32 $0x10;
	s31 =	sadd.s32 s30, s10;
	_ =	swait.ge [sflag:s6], $0x4000  }
0x1d: {  	s13 =	simm.s32 $0x20;
	s10 =	sadd.s32 $0x12200, s31;
	[sflag:s6] =	ssyncset.done $0x0  }
.LBB2_2:
0x1e: {  	s14 =	sadd.s32 s12, s9  }
0x1f: {  	[sflag:s6] =	ssyncadd.s32 $0xFFFFC000;
	s12 =	smov.u32 s13;
	s15 =	sadd.s32 $0x10, s13  }
0x20: {  	[tilespmem:s8], [sflag:$0x1] =	stream.linear.gather [hbm4b:s14+s3], $0x80, $0x38;
	[tilespmem:$0x17C80] =	vst v63  }
0x21: {  	p0 =	sne.s32 s13, $0x9D0;
	_ =	swait.ge [sflag:s6], $0x80  }
.Ltmp1:
0x22: {  	[sflag:s6] =	ssyncset.done $0x0;
	(pc) =	sbr.rel @p0 .LBB2_2-.Ltmp1, $4  }
0x23: {  	[sflag:s6] =	ssyncadd.s32 $0xFFFFFF80  }
0x24: {  	[spmem:s2] =	stream.indirect.scatter.add.f32 [tilespmem:s7], [sflag:$0x1], $0x80, s8, s11, $0xb8;
	[tilespmem:$0x17C80] =	vst v63  }
0x25: {  	_ =	swait.ge [sflag:s6], $0x4000  }
0x26: {  	s13 =	smov.u32 s15;
	[sflag:s6] =	ssyncset.done $0x0  }
0x27: {  	s9 =	sadd.s32 s12, s9;
	[sflag:s6] =	ssyncadd.s32 $0xFFFFC000  }
0x28: {  	[tilespmem:s8], [sflag:$0x1] =	stream.linear.gather [hbm4b:s9+s3], $0x80, $0x38;
	[tilespmem:$0x17C80] =	vst v63  }
0x29: {  	_ =	swait.ge [sflag:s6], $0x80  }
0x2a: {  	[sflag:s6] =	ssyncset.done $0x0  }
0x2b: {  	[sflag:s6] =	ssyncadd.s32 $0xFFFFFF80  }
0x2c: {  	[spmem:s2] =	stream.indirect.scatter.add.f32 [tilespmem:s7], [sflag:$0x1], $0x80, s8, s11, $0xb8;
	[tilespmem:$0x17C80] =	vst v63  }
0x2d: {  	_ =	swait.ge [sflag:s6], $0x4000  }
0x2e: {  	[sflag:s6] =	ssyncset.done $0x0  }
0x2f: {  	[sflag:s6] =	ssyncadd.s32 $0xFFFFC000  }
0x30: {  	s31 =	simm.s32 $0x1;
	[bflag:$0x0] =	sbarrier.arrive $0xFFFF  }
0x31: {  	[hbm:s10], [sflag:s4] =	dma.local [spmem:s5], $0x2780  }
0x32: {  	_ =	swait.ge [sflag:s31], $0x2780  }
0x33: {  	[sflag:s31] =	ssyncset.done $0x0  }
0x34: {  	[sflag:s31] =	ssyncadd.s32 $0xFFFFD880  }
.LBB2_4:
0x35: {  	_ =	sfence.sel $0x180000  }
0x36: {  	[bflag:$0x0] =	sbarrier.arrive $0xFFFF  }
0x37: {  	p0 =	sne.s32 s1, $0x0;
	_ =	strace $0x90000047  }
0x38: {  	s0 =	sadd.s32 @!p0 $0x100000, s0;
	[bflag:$0x2] =	sbarrier.arrive $0xFFFF  }
0x39: {  	[sflag:s0] =	ssyncadd.tile.s32 @!p0 $0x1;
	_ =	shalt  }
.Lfunc_end2:
_tile_overlayer_lowered:
.L_overlay_start_2:
0x3a: {  	(tag) =	ssettag $0x2  }
0x3b: {  	s0 =	rddreg [dreg:$0x0];
	s2 =	stileid.u32  }
0x3c: {  	s1 =	rddreg [dreg:$0x1];
	p0 =	sne.s32 s2, $0x0  }
0x3d: {  	s3 =	rddreg [dreg:$0x2];
	[bflag:$0x3] =	sbarrier.arrive $0xFFFF;
	s2 =	simm.s32 @!p0 $0x1C01  }
0x3e: {  	[timem:s3], [sflag:s2] =	dma.local @!p0 [hbm:s0], s1  }
0x3f: {  	s0 =	simm.s32 @!p0 $0x1  }
0x40: {  	_ =	swait.ge @!p0 [sflag:s0], s1  }
0x41: {  	s1 =	ssub.s32 @!p0 $0x0, s1;
	[sflag:s0] =	ssyncset.done @!p0 $0x0  }
0x42: {  	[sflag:s0] =	ssyncadd.s32 @!p0 s1  }
0x43: {  	[bflag:$0x3] =	sbarrier.arrive $0xFFFF  }
0x44: {  	_ =	shalt  }

// kernel: kernel.14.cloned.1.call-start
scs
__scs_entry_jumppad:
0x0: {  	(pc) =	sbr.rel $0x88, $3  }
0x1: {  	(tag) =	ssettag $0x0;
	lr =	simm.s32 $0x1  }
0x2: {  	[smem:$0x3F8F] =	sst lr;
	_ =	strace $0xD0000000  }
0x3: {  	_ = 	snop  }
0x4: {  	_ = 	snop  }
0x5: {  	_ = 	snop  }
0x6: {  	_ = 	snop  }
0x7: {  	_ = 	snop  }
__scs_overlays_trampoline_lowered:
0x8: {  	[smem:$0x3F9E] =	sst s0  }
0x9: {  	[smem:$0x3F9F] =	sst s1  }
0xa: {  	[smem:$0x3FA0] =	sst s2  }
0xb: {  	[smem:$0x3FA1] =	sst s3  }
0xc: {  	[smem:$0x3FA2] =	sst s4  }
0xd: {  	[smem:$0x3FA3] =	sst s5  }
0xe: {  	[smem:$0x3FA4] =	sst s6  }
0xf: {  	[smem:$0x3FA5] =	sst s7  }
0x10: {  	[smem:$0x3FA6] =	sst s8  }
0x11: {  	[smem:$0x3FA7] =	sst s9;
	s0 =	simm.s32 @!p0 $0x0  }
0x12: {  	s1 =	sld [smem:$0x3F8D];
	s0 =	simm.s32 @p0 $0x1  }
0x13: {  	[smem:$0x3FA8] =	sst s0;
	s0 =	simm.s32 @!p1 $0x0  }
0x14: {  	s2 =	sld [smem:$0x3F8C];
	s0 =	simm.s32 @p1 $0x1  }
0x15: {  	[smem:$0x3FA9] =	sst s0;
	s0 =	simm.s32 @!p2 $0x0  }
0x16: {  	s3 =	sld [smem:$0x3FDB];
	s0 =	simm.s32 @p2 $0x1  }
0x17: {  	s4 =	simm.s32 $0x1BF5;
	[smem:$0x3FAB] =	sst s0  }
0x18: {  	s0 =	sld [smem:$0x3F8E];
	_ =	swait.ge [sflag:s4], $0x0  }
0x19: {  	s7 =	sld [smem:$0x3F8F]  }
0x1a: {  	s8 =	sadd.s32 $0xFFFFE003, lr  }
0x1b: {  	s9 =	sadd.s32 $0xFFFFFEF7, lr;
	s5 =	simm.s32 $0xFFFFFFFF;
	p2 =	slt.u32 s8, $0xFFFFF086  }
0x1c: {  	p1 =	slt.u32 s9, $0xF7A;
	s5 =	simm.s32 @!p2 $0x0  }
0x1d: {  	s5 =	simm.s32 @p1 $0x1;
	p0 =	seq.s32 s7, s2  }
0x1e: {  	s7 =	smul.u32 @!p0 $0xF7A, s2;
	p2 =	seq.s32 @!p0 s5, $0x0  }
0x1f: {  	s9 =	smul.u32 $0xF7A, s1;
	s8 =	simm.s32 @!p0 $0x1BF5;
	p2 =	por !p2, p0  }
0x20: {  	[sflag:s8] =	ssyncset.s32 @!p0 $0xFFFFF086;
	s6 =	sadd.s32 @!p0 s3, s7;
	s7 =	simm.s32 @!p0 $0x108  }
0x21: {  	s3 =	sadd.s32 s3, s9;
	s6 =	sadd.s32 @!p0 $0x88, s6;
	s7 =	simm.s32 @p2 $0x1082  }
0x22: {  	[simem:s7], [sflag:s8] =	dma.local @!p0 [hbm:s6], $0xF7A  }
0x23: {  	s9 =	sor.u32 $0xD0000000, s2;
	s6 =	simm.s32 $0x108;
	_ =	swait.ge @!p0 [sflag:s8], $0x0  }
0x24: {  	s3 =	sadd.s32 $0x88, s3;
	s6 =	simm.s32 @!p1 $0x1082;
	[sflag:s4] =	ssyncset.s32 $0xFFFFF086  }
0x25: {  	[simem:s6], [sflag:s4] =	dma.local [hbm:s3], $0xF7A  }
0x26: {  	[smem:$0x3F8F] =	sst s1;
	(tag) =	ssettag s2;
	_ =	strace s9  }
0x27: {  	s1 =	sld [smem:$0x3F9F]  }
0x28: {  	s2 =	sld [smem:$0x3FA0]  }
0x29: {  	s4 =	sld [smem:$0x3FA2]  }
0x2a: {  	p0 =	seq.s32 s5, $0x0;
	s5 =	sld [smem:$0x3FA3]  }
0x2b: {  	s6 =	sld [smem:$0x3FA4]  }
0x2c: {  	s7 =	sld [smem:$0x3FA5]  }
0x2d: {  	s3 =	simm.s32 $0x108;
	s8 =	sld [smem:$0x3FA6]  }
0x2e: {  	s3 =	simm.s32 @!p0 $0x1082;
	s9 =	sld [smem:$0x3FA7]  }
0x2f: {  	lr =	sadd.s32 s0, s3;
	s0 =	sld [smem:$0x3F9E]  }
0x30: {  	s3 =	sld [smem:$0x3FA1]  }
0x31: {  	[smem:$0x3FAA] =	sst s10  }
0x32: {  	s10 =	sld [smem:$0x3FA8];
	_ =	sdelay $0x3  }
0x33: {  	p0 =	seq.s32 s10, $0x1;
	s10 =	sld [smem:$0x3FAA];
	_ =	sdelay $0x3  }
0x34: {  	[smem:$0x3FAA] =	sst s10  }
0x35: {  	s10 =	sld [smem:$0x3FA9];
	_ =	sdelay $0x3  }
0x36: {  	p1 =	seq.s32 s10, $0x1;
	s10 =	sld [smem:$0x3FAA];
	_ =	sdelay $0x3  }
0x37: {  	[smem:$0x3FAA] =	sst s10  }
0x38: {  	s10 =	sld [smem:$0x3FAB]  }
0x39: {  	_ = 	snop;
	(pc) =	sbr.ind lr, $3  }
0x3a: {  	_ = 	snop  }
0x3b: {  	_ = 	snop  }
0x3c: {  	p2 =	seq.s32 s10, $0x1;
	s10 =	sld [smem:$0x3FAA]  }
0x3d: {  	_ =	shalt  }
0x3e: {  	_ =	shalt  }
0x3f: {  	_ =	shalt  }
0x40: {  	_ =	shalt  }
0x41: {  	_ =	shalt  }
0x42: {  	_ =	shalt  }
0x43: {  	_ =	shalt  }
0x44: {  	_ =	shalt  }
0x45: {  	_ =	shalt  }
0x46: {  	_ =	shalt  }
0x47: {  	_ =	shalt  }
0x48: {  	_ =	shalt  }
0x49: {  	_ =	shalt  }
0x4a: {  	_ =	shalt  }
0x4b: {  	_ =	shalt  }
0x4c: {  	_ =	shalt  }
0x4d: {  	_ =	shalt  }
0x4e: {  	_ =	shalt  }
0x4f: {  	_ =	shalt  }
0x50: {  	_ =	shalt  }
0x51: {  	_ =	shalt  }
0x52: {  	_ =	shalt  }
0x53: {  	_ =	shalt  }
0x54: {  	_ =	shalt  }
0x55: {  	_ =	shalt  }
0x56: {  	_ =	shalt  }
0x57: {  	_ =	shalt  }
0x58: {  	_ =	shalt  }
0x59: {  	_ =	shalt  }
0x5a: {  	_ =	shalt  }
0x5b: {  	_ =	shalt  }
0x5c: {  	_ =	shalt  }
0x5d: {  	_ =	shalt  }
0x5e: {  	_ =	shalt  }
0x5f: {  	_ =	shalt  }
0x60: {  	_ =	shalt  }
0x61: {  	_ =	shalt  }
0x62: {  	_ =	shalt  }
0x63: {  	_ =	shalt  }
0x64: {  	_ =	shalt  }
0x65: {  	_ =	shalt  }
0x66: {  	_ =	shalt  }
0x67: {  	_ =	shalt  }
0x68: {  	_ =	shalt  }
0x69: {  	_ =	shalt  }
0x6a: {  	_ =	shalt  }
0x6b: {  	_ =	shalt  }
0x6c: {  	_ =	shalt  }
0x6d: {  	_ =	shalt  }
0x6e: {  	_ =	shalt  }
0x6f: {  	_ =	shalt  }
0x70: {  	_ =	shalt  }
0x71: {  	_ =	shalt  }
0x72: {  	_ =	shalt  }
0x73: {  	_ =	shalt  }
0x74: {  	_ =	shalt  }
0x75: {  	_ =	shalt  }
0x76: {  	_ =	shalt  }
0x77: {  	_ =	shalt  }
0x78: {  	_ =	shalt  }
0x79: {  	_ =	shalt  }
0x7a: {  	_ =	shalt  }
0x7b: {  	_ =	shalt  }
0x7c: {  	_ =	shalt  }
0x7d: {  	_ =	shalt  }
0x7e: {  	_ =	shalt  }
0x7f: {  	_ =	shalt  }
0x80: {  	_ =	shalt  }
0x81: {  	_ =	shalt  }
0x82: {  	_ =	shalt  }
0x83: {  	_ =	shalt  }
0x84: {  	_ =	shalt  }
0x85: {  	_ =	shalt  }
0x86: {  	_ =	shalt  }
0x87: {  	_ =	shalt  }
.Lfunc_end0:
.L_simem_size_0:
called_computation.1_lowered:
.L_overlay_start_0:
0x88: {  	s2 =	sld [smem:$0x3FD9]  }
0x89: {  	s3 =	sld [smem:$0x3FFE];
	_ =	sdelay $0x1  }
0x8a: {  	s1 =	srdreg.scid  }
0x8b: {  	s0 =	sand.u32 $0x1, s1  }
0x8c: {  	s17 =	sshll.u32 s0, $0xA;
	s2 =	sadd.s32 s3, s2  }
0x8d: {  	s2 =	sadd.s32 s2, s17  }
0x8e: {  	[smem:$0x3FB6] =	sst s2  }
0x8f: {  	_ = 	snop  }
0x90: {  	s2 =	sld [smem:$0x3FD0];
	(tm) =	ssettm $0x1  }
0x91: {  	s18 =	sld [smem:$0x3FFB];
	_ =	sdelay $0x3  }
0x92: {  	_ =	strace s18  }
0x93: {  	s3 =	sld [smem:$0x3FFC];
	_ =	sdelay $0x3  }
0x94: {  	_ =	strace s3  }
0x95: {  	s3 =	sld [smem:$0x3FFD];
	_ =	sdelay $0x3  }
0x96: {  	_ =	strace s3  }
0x97: {  	_ =	strace $0x8FFFFFFF  }
0x98: {  	s19 =	sld [smem:$0x3FDB];
	_ =	sdelay $0x1  }
0x99: {  	s4 =	simm.s32 $_scs_section_size  }
0x9a: {  	s5 =	simm.s32 $_size__tile_overlayer_lowered;
	s6 =	simm.s32 $_tile_overlayer_lowered  }
0x9b: {  	s22 =	simm.s32 $0x1BFF;
	s21 =	sshll.u32 s6, $0x1;
	s3 =	sadd.s32 s4, s19  }
0x9c: {  	s7 =	simm.s32 $0x0;
	s20 =	sshll.u32 s5, $0x1;
	s5 =	sadd.s32 s21, s3  }
0x9d: {  	[timem:s7], [sflag:s22] =	dma.local [hbm:s5], s20  }
0x9e: {  	_ =	swait.ge [sflag:s22], s20  }
0x9f: {  	s4 =	ssub.s32 $0x0, s20;
	[sflag:s22] =	ssyncset.done $0x0  }
0xa0: {  	[sflag:s22] =	ssyncadd.s32 s4;
	_ =	sdelay $0x1  }
0xa1: {  	s23 =	simm.s32 $0x1B8B  }
0xa2: {  	_ =	swait.ge [sflag:s23], $0x1  }
0xa3: {  	[sflag:s23] =	ssyncset.done $0x0  }
0xa4: {  	s25 =	simm.s32 $0x1B8E;
	s24 =	sld [smem:$0x3FFE];
	[sflag:s23] =	ssyncadd.s32 $0xFFFFFFFF  }
0xa5: {  	s26 =	simm.s32 $execute0_lowered;
	[smem:$0x3FD2] =	sst s25  }
0xa6: {  	s5 =	sshll.u32 s26, $0x1;
	_ =	strace $0x80000049;
	[dreg:$0x1] =	wrdreg $0xFFFFFFFF  }
0xa7: {  	s28 =	simm.s32 $_size_execute0_lowered;
	s3 =	sadd.s32 s3, s5;
	[dreg:$0x0] =	wrdreg $0x0  }
0xa8: {  	s5 =	sshll.u32 s28, $0x1;
	[dreg:$0x2] =	wrdreg s3  }
0xa9: {  	[dreg:$0x3] =	wrdreg s5  }
0xaa: {  	[dreg:$0x4] =	wrdreg $0xC0  }
0xab: {  	_ =	task [dreg:s7], $0x5FFFF  }
0xac: {  	[dreg:$0x1] =	wrdreg $0xFFFFFFFF  }
0xad: {  	[dreg:$0x0] =	wrdreg $0x60  }
0xae: {  	[dreg:$0x2] =	wrdreg s24  }
0xaf: {  	[dreg:$0x3] =	wrdreg s2  }
0xb0: {  	[dreg:$0x4] =	wrdreg $0x0  }
0xb1: {  	[dreg:$0x5] =	wrdreg $0x9  }
0xb2: {  	_ =	task.clear_ibuf [dreg:s7], $0x6FFFF;
	_ =	strace $0x90000049  }
0xb3: {  	s29 =	simm.s32 $0x9;
	_ =	strace $0x8000004B  }
0xb4: {  	_ =	swait.ge [sflag:s29], $0x1  }
0xb5: {  	[sflag:s29] =	ssyncadd.s32 $0xFFFFFFFF  }
0xb6: {  	_ =	strace $0x9000004B  }
0xb7: {  	_ =	sfence  }
0xb8: {  	s30 =	sld [smem:$0x0];
	_ =	sdelay $0x2  }
0xb9: {  	s31 =	sshll.u32 s1, $0xD;
	s1 =	sshrl.u32 s1, $0x2  }
0xba: {  	s3 =	sand.u32 $0x4000, s31;
	s1 =	sadd.s32 s1, s30  }
0xbb: {  	s0 =	sor.u32 s3, s0;
	s1 =	sshll.u32 s1, $0x11  }
0xbc: {  	s0 =	sor.u32 s1, s0  }
0xbd: {  	s0 =	sadd.s32 $0x8F2B, s0  }
0xbe: {  	[sflag:s0] =	ssyncadd.remote.s32 $0x1  }
0xbf: {  	_ =	sfence.sel $0xFFFF  }
0xc0: {  	[dreg:$0x0] =	wrdreg $0xFFFFFFFF;
	(pc) =	sbr.abs _section_cstart, $3  }
0xc1: {  	[dreg:$0x1] =	wrdreg $0xFFFFFFFF  }
0xc2: {  	_ =	task.clear_ibuf [dreg:s7], $0x2FFFF;
	_ =	strace $0x9FFFFFFF  }
0xc3: {  	(tm) =	ssettm $0x7FFFFFFF  }
tec
execute0_lowered:
.L_overlay_start_1:
0x0: {  	(tag) =	ssettag $0x1  }
0x1: {  	s6 =	rddreg [dreg:$0x0]  }
0x2: {  	s8 =	rddreg [dreg:$0x1];
	s0 =	srdreg.scid  }
0x3: {  	s1 =	rddreg [dreg:$0x2];
	s3 =	simm.s32 $0x0;
	s2 =	stileid.u32  }
0x4: {  	s14 =	simm.s32 $0x13C80;
	s15 =	simm.s32 $0x80;
	s10 =	smul.u32 $0x13C00, s2  }
0x5: {  	s16 =	simm.s32 $0x13D00;
	s17 =	simm.s32 $0x1;
	s12 =	smul.u32 $0x4F000, s2  }
0x6: {  	s5 =	sand.u32 $0x1, s0;
	s0 =	rddreg [dreg:$0x3];
	s30 =	smul.u32 $0x4F0, s2  }
0x7: {  	s18 =	simm.s32 $0x0;
	[smem:$0x7FF] =	sst s3;
	s9 =	smul.u32 $0x4F00, s5  }
0x8: {  	s4 =	sadd.s32 $0x39A00, s6;
	s29 =	sshll.u32 s2, $0x6;
	s7 =	smul.u32 $0x13C000, s5  }
0x9: {  	_ =	strace $0x8000004A;
	s26 =	ssub.s32 $0x2, s5;
	s5 =	sadd.s32 $0xFA00, s6  }
0xa: {  	s13 =	sshrl.u32 s26, $0x1;
	s28 =	sshrl.u32 s12, $0x2;
	s11 =	sadd.s32 s9, s6  }
0xb: {  	s7 =	sadd.s32 s10, s7;
	s10 =	ssub.s32 s26, s13;
	s12 =	sadd.s32 s28, s1  }
0xc: {  	s9 =	sadd.s32 s9, s8;
	s13 =	simm.s32 $0x13C00;
	s7 =	sshrl.u32 s7, $0x3  }
0xd: {  	s8 =	smax.u32 s10, $0x1;
	s9 =	sadd.s32 s30, s9;
	s31 =	sadd.s32 s30, s11  }
0xe: {  	s11 =	sshrl.u32 s12, $0x3;
	s12 =	simm.s32 $0x2;
	s7 =	sadd.s32 s7, s6  }
0xf: {  	s6 =	sor.u32 $0x1C02, s29;
	s10 =	sadd.s32 $0x5400, s31;
	s7 =	sadd.s32 $0x61200, s7  }
.LBB2_1:
0x10: {  	[spmem:s11], [sflag:s6] =	dma.local [hbm:s5], $0x2780  }
0x11: {  	_ =	swait.ge [sflag:s12], $0x2780  }
0x12: {  	[sflag:s12] =	ssyncset.done $0x0  }
0x13: {  	[sflag:s12] =	ssyncadd.s32 $0xFFFFD880  }
0x14: {  	s19 =	sadd.s32 $0x0, s9;
	[bflag:$0x0] =	sbarrier.arrive $0xFFFF  }
0x15: {  	[tilespmem:s13], [sflag:$0x2] =	stream.linear.gather [hbm4b:s19+s3], $0x80, $0x38;
	[tilespmem:$0x17D00] =	vst v63  }
0x16: {  	_ =	swait.ge [sflag:s12], $0x80  }
0x17: {  	[sflag:s12] =	ssyncset.done $0x0  }
0x18: {  	s31 =	sadd.s32 $0x0, s10;
	[sflag:s12] =	ssyncadd.s32 $0xFFFFFF80  }
0x19: {  	[tilespmem:s14], [sflag:$0x2] =	stream.linear.gather [hbm4b:s31+s3], $0x80, $0x38;
	[tilespmem:$0x17D00] =	vst v63  }
0x1a: {  	_ =	swait.ge [sflag:s12], $0x80  }
0x1b: {  	[sflag:s12] =	ssyncset.done $0x0  }
0x1c: {  	[sflag:s12] =	ssyncadd.s32 $0xFFFFFF80  }
0x1d: {  	[tilespmem:s16], [sflag:$0x1] =	stream.indirect.gather [hbm4b:s4+s15], $0x80, s13, s15, $0xb8;
	[tilespmem:$0x17D00] =	vst v63  }
0x1e: {  	_ =	swait.ge [sflag:s17], $0x4000  }
0x1f: {  	[sflag:s17] =	ssyncset.done $0x0  }
0x20: {  	[sflag:s17] =	ssyncadd.s32 $0xFFFFC000  }
0x21: {  	[spmem:s1] =	stream.indirect.scatter.add.f32 [tilespmem:s16], [sflag:$0x2], $0x80, s14, s15, $0xb8;
	[tilespmem:$0x17D00] =	vst v63  }
0x22: {  	_ =	swait.ge [sflag:s12], $0x4000  }
0x23: {  	s20 =	simm.s32 $0x20;
	s19 =	simm.s32 $0x10;
	[sflag:s12] =	ssyncset.done $0x0  }
.LBB2_2:
0x24: {  	s21 =	sadd.s32 s19, s9  }
0x25: {  	[sflag:s12] =	ssyncadd.s32 $0xFFFFC000;
	s22 =	smov.u32 s20;
	s23 =	sadd.s32 $0x10, s20  }
0x26: {  	[tilespmem:s13], [sflag:$0x2] =	stream.linear.gather [hbm4b:s21+s3], $0x80, $0x38;
	[tilespmem:$0x17D00] =	vst v63  }
0x27: {  	p0 =	sne.s32 s20, $0x4E0;
	_ =	swait.ge [sflag:s12], $0x80  }
0x28: {  	[sflag:s12] =	ssyncset.done $0x0  }
0x29: {  	s20 =	sadd.s32 s19, s10;
	s19 =	smov.u32 s22;
	[sflag:s12] =	ssyncadd.s32 $0xFFFFFF80  }
0x2a: {  	[tilespmem:s14], [sflag:$0x2] =	stream.linear.gather [hbm4b:s20+s3], $0x80, $0x38;
	[tilespmem:$0x17D00] =	vst v63  }
0x2b: {  	_ =	swait.ge [sflag:s12], $0x80  }
0x2c: {  	[sflag:s12] =	ssyncset.done $0x0  }
0x2d: {  	[sflag:s12] =	ssyncadd.s32 $0xFFFFFF80  }
0x2e: {  	[tilespmem:s16], [sflag:$0x1] =	stream.indirect.gather [hbm4b:s4+s15], $0x80, s13, s15, $0xb8;
	[tilespmem:$0x17D00] =	vst v63  }
0x2f: {  	_ =	swait.ge [sflag:s17], $0x4000  }
.Ltmp0:
0x30: {  	[sflag:s17] =	ssyncset.done $0x0;
	(pc) =	sbr.rel @p0 .LBB2_2-.Ltmp0, $4  }
0x31: {  	[sflag:s17] =	ssyncadd.s32 $0xFFFFC000  }
0x32: {  	[spmem:s1] =	stream.indirect.scatter.add.f32 [tilespmem:s16], [sflag:$0x2], $0x80, s14, s15, $0xb8;
	[tilespmem:$0x17D00] =	vst v63  }
0x33: {  	_ =	swait.ge [sflag:s12], $0x4000  }
0x34: {  	s20 =	smov.u32 s23;
	[sflag:s12] =	ssyncset.done $0x0  }
0x35: {  	s20 =	sadd.s32 s19, s9;
	[sflag:s12] =	ssyncadd.s32 $0xFFFFC000  }
0x36: {  	[tilespmem:s13], [sflag:$0x2] =	stream.linear.gather [hbm4b:s20+s3], $0x80, $0x38;
	[tilespmem:$0x17D00] =	vst v63  }
0x37: {  	_ =	swait.ge [sflag:s12], $0x80  }
0x38: {  	[sflag:s12] =	ssyncset.done $0x0  }
0x39: {  	s31 =	sadd.s32 s19, s10;
	[sflag:s12] =	ssyncadd.s32 $0xFFFFFF80  }
0x3a: {  	[tilespmem:s14], [sflag:$0x2] =	stream.linear.gather [hbm4b:s31+s3], $0x80, $0x38;
	[tilespmem:$0x17D00] =	vst v63  }
0x3b: {  	_ =	swait.ge [sflag:s12], $0x80  }
0x3c: {  	[sflag:s12] =	ssyncset.done $0x0  }
0x3d: {  	[sflag:s12] =	ssyncadd.s32 $0xFFFFFF80  }
0x3e: {  	[tilespmem:s16], [sflag:$0x1] =	stream.indirect.gather [hbm4b:s4+s15], $0x80, s13, s15, $0xb8;
	[tilespmem:$0x17D00] =	vst v63  }
0x3f: {  	_ =	swait.ge [sflag:s17], $0x4000  }
0x40: {  	[sflag:s17] =	ssyncset.done $0x0  }
0x41: {  	[sflag:s17] =	ssyncadd.s32 $0xFFFFC000  }
0x42: {  	[spmem:s1] =	stream.indirect.scatter.add.f32 [tilespmem:s16], [sflag:$0x2], $0x80, s14, s15, $0xb8;
	[tilespmem:$0x17D00] =	vst v63  }
0x43: {  	_ =	swait.ge [sflag:s12], $0x4000  }
0x44: {  	s18 =	sadd.s32 $0x1, s18;
	[sflag:s12] =	ssyncset.done $0x0  }
0x45: {  	p0 =	sne.s32 s18, s8;
	[sflag:s12] =	ssyncadd.s32 $0xFFFFC000  }
.Ltmp1:
0x46: {  	[bflag:$0x0] =	sbarrier.arrive $0xFFFF;
	(pc) =	sbr.rel @p0 .LBB2_1-.Ltmp1, $4  }
0x47: {  	[hbm:s7], [sflag:s6] =	dma.local [spmem:s11], $0x2780  }
0x48: {  	_ =	swait.ge [sflag:s12], $0x2780  }
0x49: {  	[sflag:s12] =	ssyncset.done $0x0  }
0x4a: {  	[sflag:s12] =	ssyncadd.s32 $0xFFFFD880  }
0x4b: {  	_ =	sfence.sel $0x180000  }
0x4c: {  	[bflag:$0x0] =	sbarrier.arrive $0xFFFF  }
0x4d: {  	p0 =	sne.s32 s2, $0x0;
	_ =	strace $0x9000004A  }
0x4e: {  	s0 =	sadd.s32 @!p0 $0x100000, s0;
	[bflag:$0x2] =	sbarrier.arrive $0xFFFF  }
0x4f: {  	[sflag:s0] =	ssyncadd.tile.s32 @!p0 $0x1;
	_ =	shalt  }
.Lfunc_end2:
_tile_overlayer_lowered:
.L_overlay_start_2:
0x50: {  	(tag) =	ssettag $0x2  }
0x51: {  	s0 =	rddreg [dreg:$0x0];
	s2 =	stileid.u32  }
0x52: {  	s1 =	rddreg [dreg:$0x1];
	p0 =	sne.s32 s2, $0x0  }
0x53: {  	s3 =	rddreg [dreg:$0x2];
	[bflag:$0x3] =	sbarrier.arrive $0xFFFF;
	s2 =	simm.s32 @!p0 $0x1C02  }
0x54: {  	[timem:s3], [sflag:s2] =	dma.local @!p0 [hbm:s0], s1  }
0x55: {  	s0 =	simm.s32 @!p0 $0x2  }
0x56: {  	_ =	swait.ge @!p0 [sflag:s0], s1  }
0x57: {  	s1 =	ssub.s32 @!p0 $0x0, s1;
	[sflag:s0] =	ssyncset.done @!p0 $0x0  }
0x58: {  	[sflag:s0] =	ssyncadd.s32 @!p0 s1  }
0x59: {  	[bflag:$0x3] =	sbarrier.arrive $0xFFFF  }
0x5a: {  	_ =	shalt  }

// kernel: kernel.17.cloned.1.call-start
scs
__scs_entry_jumppad:
0x0: {  	(pc) =	sbr.rel $0x88, $3  }
0x1: {  	(tag) =	ssettag $0x0;
	lr =	simm.s32 $0x1  }
0x2: {  	[smem:$0x3F8F] =	sst lr;
	_ =	strace $0xD0000000  }
0x3: {  	_ = 	snop  }
0x4: {  	_ = 	snop  }
0x5: {  	_ = 	snop  }
0x6: {  	_ = 	snop  }
0x7: {  	_ = 	snop  }
__scs_overlays_trampoline_lowered:
0x8: {  	[smem:$0x3F9E] =	sst s0  }
0x9: {  	[smem:$0x3F9F] =	sst s1  }
0xa: {  	[smem:$0x3FA0] =	sst s2  }
0xb: {  	[smem:$0x3FA1] =	sst s3  }
0xc: {  	[smem:$0x3FA2] =	sst s4  }
0xd: {  	[smem:$0x3FA3] =	sst s5  }
0xe: {  	[smem:$0x3FA4] =	sst s6  }
0xf: {  	[smem:$0x3FA5] =	sst s7  }
0x10: {  	[smem:$0x3FA6] =	sst s8  }
0x11: {  	[smem:$0x3FA7] =	sst s9;
	s0 =	simm.s32 @!p0 $0x0  }
0x12: {  	s1 =	sld [smem:$0x3F8D];
	s0 =	simm.s32 @p0 $0x1  }
0x13: {  	[smem:$0x3FA8] =	sst s0;
	s0 =	simm.s32 @!p1 $0x0  }
0x14: {  	s2 =	sld [smem:$0x3F8C];
	s0 =	simm.s32 @p1 $0x1  }
0x15: {  	[smem:$0x3FA9] =	sst s0;
	s0 =	simm.s32 @!p2 $0x0  }
0x16: {  	s3 =	sld [smem:$0x3FDB];
	s0 =	simm.s32 @p2 $0x1  }
0x17: {  	s4 =	simm.s32 $0x1BF5;
	[smem:$0x3FAB] =	sst s0  }
0x18: {  	s0 =	sld [smem:$0x3F8E];
	_ =	swait.ge [sflag:s4], $0x0  }
0x19: {  	s7 =	sld [smem:$0x3F8F]  }
0x1a: {  	s8 =	sadd.s32 $0xFFFFE003, lr  }
0x1b: {  	s9 =	sadd.s32 $0xFFFFFEF7, lr;
	s5 =	simm.s32 $0xFFFFFFFF;
	p2 =	slt.u32 s8, $0xFFFFF086  }
0x1c: {  	p1 =	slt.u32 s9, $0xF7A;
	s5 =	simm.s32 @!p2 $0x0  }
0x1d: {  	s5 =	simm.s32 @p1 $0x1;
	p0 =	seq.s32 s7, s2  }
0x1e: {  	s7 =	smul.u32 @!p0 $0xF7A, s2;
	p2 =	seq.s32 @!p0 s5, $0x0  }
0x1f: {  	s9 =	smul.u32 $0xF7A, s1;
	s8 =	simm.s32 @!p0 $0x1BF5;
	p2 =	por !p2, p0  }
0x20: {  	[sflag:s8] =	ssyncset.s32 @!p0 $0xFFFFF086;
	s6 =	sadd.s32 @!p0 s3, s7;
	s7 =	simm.s32 @!p0 $0x108  }
0x21: {  	s3 =	sadd.s32 s3, s9;
	s6 =	sadd.s32 @!p0 $0x88, s6;
	s7 =	simm.s32 @p2 $0x1082  }
0x22: {  	[simem:s7], [sflag:s8] =	dma.local @!p0 [hbm:s6], $0xF7A  }
0x23: {  	s9 =	sor.u32 $0xD0000000, s2;
	s6 =	simm.s32 $0x108;
	_ =	swait.ge @!p0 [sflag:s8], $0x0  }
0x24: {  	s3 =	sadd.s32 $0x88, s3;
	s6 =	simm.s32 @!p1 $0x1082;
	[sflag:s4] =	ssyncset.s32 $0xFFFFF086  }
0x25: {  	[simem:s6], [sflag:s4] =	dma.local [hbm:s3], $0xF7A  }
0x26: {  	[smem:$0x3F8F] =	sst s1;
	(tag) =	ssettag s2;
	_ =	strace s9  }
0x27: {  	s1 =	sld [smem:$0x3F9F]  }
0x28: {  	s2 =	sld [smem:$0x3FA0]  }
0x29: {  	s4 =	sld [smem:$0x3FA2]  }
0x2a: {  	p0 =	seq.s32 s5, $0x0;
	s5 =	sld [smem:$0x3FA3]  }
0x2b: {  	s6 =	sld [smem:$0x3FA4]  }
0x2c: {  	s7 =	sld [smem:$0x3FA5]  }
0x2d: {  	s3 =	simm.s32 $0x108;
	s8 =	sld [smem:$0x3FA6]  }
0x2e: {  	s3 =	simm.s32 @!p0 $0x1082;
	s9 =	sld [smem:$0x3FA7]  }
0x2f: {  	lr =	sadd.s32 s0, s3;
	s0 =	sld [smem:$0x3F9E]  }
0x30: {  	s3 =	sld [smem:$0x3FA1]  }
0x31: {  	[smem:$0x3FAA] =	sst s10  }
0x32: {  	s10 =	sld [smem:$0x3FA8];
	_ =	sdelay $0x3  }
0x33: {  	p0 =	seq.s32 s10, $0x1;
	s10 =	sld [smem:$0x3FAA];
	_ =	sdelay $0x3  }
0x34: {  	[smem:$0x3FAA] =	sst s10  }
0x35: {  	s10 =	sld [smem:$0x3FA9];
	_ =	sdelay $0x3  }
0x36: {  	p1 =	seq.s32 s10, $0x1;
	s10 =	sld [smem:$0x3FAA];
	_ =	sdelay $0x3  }
0x37: {  	[smem:$0x3FAA] =	sst s10  }
0x38: {  	s10 =	sld [smem:$0x3FAB]  }
0x39: {  	_ = 	snop;
	(pc) =	sbr.ind lr, $3  }
0x3a: {  	_ = 	snop  }
0x3b: {  	_ = 	snop  }
0x3c: {  	p2 =	seq.s32 s10, $0x1;
	s10 =	sld [smem:$0x3FAA]  }
0x3d: {  	_ =	shalt  }
0x3e: {  	_ =	shalt  }
0x3f: {  	_ =	shalt  }
0x40: {  	_ =	shalt  }
0x41: {  	_ =	shalt  }
0x42: {  	_ =	shalt  }
0x43: {  	_ =	shalt  }
0x44: {  	_ =	shalt  }
0x45: {  	_ =	shalt  }
0x46: {  	_ =	shalt  }
0x47: {  	_ =	shalt  }
0x48: {  	_ =	shalt  }
0x49: {  	_ =	shalt  }
0x4a: {  	_ =	shalt  }
0x4b: {  	_ =	shalt  }
0x4c: {  	_ =	shalt  }
0x4d: {  	_ =	shalt  }
0x4e: {  	_ =	shalt  }
0x4f: {  	_ =	shalt  }
0x50: {  	_ =	shalt  }
0x51: {  	_ =	shalt  }
0x52: {  	_ =	shalt  }
0x53: {  	_ =	shalt  }
0x54: {  	_ =	shalt  }
0x55: {  	_ =	shalt  }
0x56: {  	_ =	shalt  }
0x57: {  	_ =	shalt  }
0x58: {  	_ =	shalt  }
0x59: {  	_ =	shalt  }
0x5a: {  	_ =	shalt  }
0x5b: {  	_ =	shalt  }
0x5c: {  	_ =	shalt  }
0x5d: {  	_ =	shalt  }
0x5e: {  	_ =	shalt  }
0x5f: {  	_ =	shalt  }
0x60: {  	_ =	shalt  }
0x61: {  	_ =	shalt  }
0x62: {  	_ =	shalt  }
0x63: {  	_ =	shalt  }
0x64: {  	_ =	shalt  }
0x65: {  	_ =	shalt  }
0x66: {  	_ =	shalt  }
0x67: {  	_ =	shalt  }
0x68: {  	_ =	shalt  }
0x69: {  	_ =	shalt  }
0x6a: {  	_ =	shalt  }
0x6b: {  	_ =	shalt  }
0x6c: {  	_ =	shalt  }
0x6d: {  	_ =	shalt  }
0x6e: {  	_ =	shalt  }
0x6f: {  	_ =	shalt  }
0x70: {  	_ =	shalt  }
0x71: {  	_ =	shalt  }
0x72: {  	_ =	shalt  }
0x73: {  	_ =	shalt  }
0x74: {  	_ =	shalt  }
0x75: {  	_ =	shalt  }
0x76: {  	_ =	shalt  }
0x77: {  	_ =	shalt  }
0x78: {  	_ =	shalt  }
0x79: {  	_ =	shalt  }
0x7a: {  	_ =	shalt  }
0x7b: {  	_ =	shalt  }
0x7c: {  	_ =	shalt  }
0x7d: {  	_ =	shalt  }
0x7e: {  	_ =	shalt  }
0x7f: {  	_ =	shalt  }
0x80: {  	_ =	shalt  }
0x81: {  	_ =	shalt  }
0x82: {  	_ =	shalt  }
0x83: {  	_ =	shalt  }
0x84: {  	_ =	shalt  }
0x85: {  	_ =	shalt  }
0x86: {  	_ =	shalt  }
0x87: {  	_ =	shalt  }
.Lfunc_end0:
.L_simem_size_0:
called_computation.2_lowered:
.L_overlay_start_0:
0x88: {  	s2 =	sld [smem:$0x3FD9]  }
0x89: {  	s3 =	sld [smem:$0x3FFE];
	_ =	sdelay $0x1  }
0x8a: {  	s1 =	srdreg.scid  }
0x8b: {  	s0 =	sand.u32 $0x1, s1  }
0x8c: {  	s17 =	sshll.u32 s0, $0xA;
	s2 =	sadd.s32 s3, s2  }
0x8d: {  	s2 =	sadd.s32 s2, s17  }
0x8e: {  	[smem:$0x3FB6] =	sst s2  }
0x8f: {  	_ = 	snop  }
0x90: {  	s2 =	sld [smem:$0x3FD0];
	(tm) =	ssettm $0x1  }
0x91: {  	s18 =	sld [smem:$0x3FFB];
	_ =	sdelay $0x3  }
0x92: {  	_ =	strace s18  }
0x93: {  	s3 =	sld [smem:$0x3FFC];
	_ =	sdelay $0x3  }
0x94: {  	_ =	strace s3  }
0x95: {  	s3 =	sld [smem:$0x3FFD];
	_ =	sdelay $0x3  }
0x96: {  	_ =	strace s3  }
0x97: {  	_ =	strace $0x8FFFFFFF  }
0x98: {  	s19 =	sld [smem:$0x3FDB];
	_ =	sdelay $0x1  }
0x99: {  	s4 =	simm.s32 $_scs_section_size  }
0x9a: {  	s5 =	simm.s32 $_size__tile_overlayer_lowered;
	s6 =	simm.s32 $_tile_overlayer_lowered  }
0x9b: {  	s22 =	simm.s32 $0x1BFF;
	s21 =	sshll.u32 s6, $0x1;
	s3 =	sadd.s32 s4, s19  }
0x9c: {  	s7 =	simm.s32 $0x0;
	s20 =	sshll.u32 s5, $0x1;
	s5 =	sadd.s32 s21, s3  }
0x9d: {  	[timem:s7], [sflag:s22] =	dma.local [hbm:s5], s20  }
0x9e: {  	_ =	swait.ge [sflag:s22], s20  }
0x9f: {  	s4 =	ssub.s32 $0x0, s20;
	[sflag:s22] =	ssyncset.done $0x0  }
0xa0: {  	[sflag:s22] =	ssyncadd.s32 s4;
	_ =	sdelay $0x1  }
0xa1: {  	s23 =	simm.s32 $0x1B8B  }
0xa2: {  	_ =	swait.ge [sflag:s23], $0x1  }
0xa3: {  	[sflag:s23] =	ssyncset.done $0x0  }
0xa4: {  	s25 =	simm.s32 $0x1B8E;
	s24 =	sld [smem:$0x3FFE];
	[sflag:s23] =	ssyncadd.s32 $0xFFFFFFFF  }
0xa5: {  	s26 =	simm.s32 $execute0_lowered;
	[smem:$0x3FD2] =	sst s25  }
0xa6: {  	s5 =	sshll.u32 s26, $0x1;
	_ =	strace $0x8000004C;
	[dreg:$0x1] =	wrdreg $0xFFFFFFFF  }
0xa7: {  	s28 =	simm.s32 $_size_execute0_lowered;
	s3 =	sadd.s32 s3, s5;
	[dreg:$0x0] =	wrdreg $0x0  }
0xa8: {  	s5 =	sshll.u32 s28, $0x1;
	[dreg:$0x2] =	wrdreg s3  }
0xa9: {  	[dreg:$0x3] =	wrdreg s5  }
0xaa: {  	[dreg:$0x4] =	wrdreg $0xC0  }
0xab: {  	_ =	task [dreg:s7], $0x5FFFF  }
0xac: {  	[dreg:$0x1] =	wrdreg $0xFFFFFFFF  }
0xad: {  	[dreg:$0x0] =	wrdreg $0x60  }
0xae: {  	[dreg:$0x2] =	wrdreg s24  }
0xaf: {  	[dreg:$0x3] =	wrdreg s2  }
0xb0: {  	[dreg:$0x4] =	wrdreg $0x0  }
0xb1: {  	[dreg:$0x5] =	wrdreg $0x9  }
0xb2: {  	_ =	task.clear_ibuf [dreg:s7], $0x6FFFF;
	_ =	strace $0x9000004C  }
0xb3: {  	s29 =	simm.s32 $0x9;
	_ =	strace $0x8000004E  }
0xb4: {  	_ =	swait.ge [sflag:s29], $0x1  }
0xb5: {  	[sflag:s29] =	ssyncadd.s32 $0xFFFFFFFF  }
0xb6: {  	_ =	strace $0x9000004E  }
0xb7: {  	_ =	sfence  }
0xb8: {  	s30 =	sld [smem:$0x0];
	_ =	sdelay $0x2  }
0xb9: {  	s31 =	sshll.u32 s1, $0xD;
	s1 =	sshrl.u32 s1, $0x2  }
0xba: {  	s3 =	sand.u32 $0x4000, s31;
	s1 =	sadd.s32 s1, s30  }
0xbb: {  	s0 =	sor.u32 s3, s0;
	s1 =	sshll.u32 s1, $0x11  }
0xbc: {  	s0 =	sor.u32 s1, s0  }
0xbd: {  	s0 =	sadd.s32 $0x8F2B, s0  }
0xbe: {  	[sflag:s0] =	ssyncadd.remote.s32 $0x1  }
0xbf: {  	_ =	sfence.sel $0xFFFF  }
0xc0: {  	[dreg:$0x0] =	wrdreg $0xFFFFFFFF;
	(pc) =	sbr.abs _section_cstart, $3  }
0xc1: {  	[dreg:$0x1] =	wrdreg $0xFFFFFFFF  }
0xc2: {  	_ =	task.clear_ibuf [dreg:s7], $0x2FFFF;
	_ =	strace $0x9FFFFFFF  }
0xc3: {  	(tm) =	ssettm $0x7FFFFFFF  }
tec
execute0_lowered:
.L_overlay_start_1:
0x0: {  	(tag) =	ssettag $0x1  }
0x1: {  	s6 =	rddreg [dreg:$0x0]  }
0x2: {  	s8 =	rddreg [dreg:$0x1];
	s0 =	srdreg.scid  }
0x3: {  	s1 =	rddreg [dreg:$0x2];
	s3 =	simm.s32 $0x0;
	s2 =	stileid.u32  }
0x4: {  	s14 =	simm.s32 $0x13C80;
	s15 =	simm.s32 $0x80;
	s10 =	smul.u32 $0x13C00, s2  }
0x5: {  	s16 =	simm.s32 $0x13D00;
	s17 =	simm.s32 $0x1;
	s12 =	smul.u32 $0x4F000, s2  }
0x6: {  	s5 =	sand.u32 $0x1, s0;
	s0 =	rddreg [dreg:$0x3];
	s30 =	smul.u32 $0x4F0, s2  }
0x7: {  	s18 =	simm.s32 $0x0;
	[smem:$0x7FF] =	sst s3;
	s9 =	smul.u32 $0x4F00, s5  }
0x8: {  	s4 =	sadd.s32 $0x12200, s6;
	s29 =	sshll.u32 s2, $0x6;
	s7 =	smul.u32 $0x13C000, s5  }
0x9: {  	_ =	strace $0x8000004D;
	s26 =	ssub.s32 $0x2, s5;
	s5 =	sadd.s32 $0xFA00, s6  }
0xa: {  	s13 =	sshrl.u32 s26, $0x1;
	s28 =	sshrl.u32 s12, $0x2;
	s11 =	sadd.s32 s9, s6  }
0xb: {  	s7 =	sadd.s32 s10, s7;
	s10 =	ssub.s32 s26, s13;
	s12 =	sadd.s32 s28, s1  }
0xc: {  	s9 =	sadd.s32 s9, s8;
	s13 =	simm.s32 $0x13C00;
	s7 =	sshrl.u32 s7, $0x3  }
0xd: {  	s8 =	smax.u32 s10, $0x1;
	s9 =	sadd.s32 s30, s9;
	s31 =	sadd.s32 s30, s11  }
0xe: {  	s11 =	sshrl.u32 s12, $0x3;
	s12 =	simm.s32 $0x2;
	s7 =	sadd.s32 s7, s6  }
0xf: {  	s6 =	sor.u32 $0x1C02, s29;
	s10 =	sadd.s32 $0x5400, s31;
	s7 =	sadd.s32 $0x39A00, s7  }
.LBB2_1:
0x10: {  	[spmem:s11], [sflag:s6] =	dma.local [hbm:s5], $0x2780  }
0x11: {  	_ =	swait.ge [sflag:s12], $0x2780  }
0x12: {  	[sflag:s12] =	ssyncset.done $0x0  }
0x13: {  	[sflag:s12] =	ssyncadd.s32 $0xFFFFD880  }
0x14: {  	s19 =	sadd.s32 $0x0, s9;
	[bflag:$0x0] =	sbarrier.arrive $0xFFFF  }
0x15: {  	[tilespmem:s13], [sflag:$0x2] =	stream.linear.gather [hbm4b:s19+s3], $0x80, $0x38;
	[tilespmem:$0x17D00] =	vst v63  }
0x16: {  	_ =	swait.ge [sflag:s12], $0x80  }
0x17: {  	[sflag:s12] =	ssyncset.done $0x0  }
0x18: {  	s31 =	sadd.s32 $0x0, s10;
	[sflag:s12] =	ssyncadd.s32 $0xFFFFFF80  }
0x19: {  	[tilespmem:s14], [sflag:$0x2] =	stream.linear.gather [hbm4b:s31+s3], $0x80, $0x38;
	[tilespmem:$0x17D00] =	vst v63  }
0x1a: {  	_ =	swait.ge [sflag:s12], $0x80  }
0x1b: {  	[sflag:s12] =	ssyncset.done $0x0  }
0x1c: {  	[sflag:s12] =	ssyncadd.s32 $0xFFFFFF80  }
0x1d: {  	[tilespmem:s16], [sflag:$0x1] =	stream.indirect.gather [hbm4b:s4+s15], $0x80, s13, s15, $0xb8;
	[tilespmem:$0x17D00] =	vst v63  }
0x1e: {  	_ =	swait.ge [sflag:s17], $0x4000  }
0x1f: {  	[sflag:s17] =	ssyncset.done $0x0  }
0x20: {  	[sflag:s17] =	ssyncadd.s32 $0xFFFFC000  }
0x21: {  	[spmem:s1] =	stream.indirect.scatter.add.f32 [tilespmem:s16], [sflag:$0x2], $0x80, s14, s15, $0xb8;
	[tilespmem:$0x17D00] =	vst v63  }
0x22: {  	_ =	swait.ge [sflag:s12], $0x4000  }
0x23: {  	s20 =	simm.s32 $0x20;
	s19 =	simm.s32 $0x10;
	[sflag:s12] =	ssyncset.done $0x0  }
.LBB2_2:
0x24: {  	s21 =	sadd.s32 s19, s9  }
0x25: {  	[sflag:s12] =	ssyncadd.s32 $0xFFFFC000;
	s22 =	smov.u32 s20;
	s23 =	sadd.s32 $0x10, s20  }
0x26: {  	[tilespmem:s13], [sflag:$0x2] =	stream.linear.gather [hbm4b:s21+s3], $0x80, $0x38;
	[tilespmem:$0x17D00] =	vst v63  }
0x27: {  	p0 =	sne.s32 s20, $0x4E0;
	_ =	swait.ge [sflag:s12], $0x80  }
0x28: {  	[sflag:s12] =	ssyncset.done $0x0  }
0x29: {  	s20 =	sadd.s32 s19, s10;
	s19 =	smov.u32 s22;
	[sflag:s12] =	ssyncadd.s32 $0xFFFFFF80  }
0x2a: {  	[tilespmem:s14], [sflag:$0x2] =	stream.linear.gather [hbm4b:s20+s3], $0x80, $0x38;
	[tilespmem:$0x17D00] =	vst v63  }
0x2b: {  	_ =	swait.ge [sflag:s12], $0x80  }
0x2c: {  	[sflag:s12] =	ssyncset.done $0x0  }
0x2d: {  	[sflag:s12] =	ssyncadd.s32 $0xFFFFFF80  }
0x2e: {  	[tilespmem:s16], [sflag:$0x1] =	stream.indirect.gather [hbm4b:s4+s15], $0x80, s13, s15, $0xb8;
	[tilespmem:$0x17D00] =	vst v63  }
0x2f: {  	_ =	swait.ge [sflag:s17], $0x4000  }
.Ltmp0:
0x30: {  	[sflag:s17] =	ssyncset.done $0x0;
	(pc) =	sbr.rel @p0 .LBB2_2-.Ltmp0, $4  }
0x31: {  	[sflag:s17] =	ssyncadd.s32 $0xFFFFC000  }
0x32: {  	[spmem:s1] =	stream.indirect.scatter.add.f32 [tilespmem:s16], [sflag:$0x2], $0x80, s14, s15, $0xb8;
	[tilespmem:$0x17D00] =	vst v63  }
0x33: {  	_ =	swait.ge [sflag:s12], $0x4000  }
0x34: {  	s20 =	smov.u32 s23;
	[sflag:s12] =	ssyncset.done $0x0  }
0x35: {  	s20 =	sadd.s32 s19, s9;
	[sflag:s12] =	ssyncadd.s32 $0xFFFFC000  }
0x36: {  	[tilespmem:s13], [sflag:$0x2] =	stream.linear.gather [hbm4b:s20+s3], $0x80, $0x38;
	[tilespmem:$0x17D00] =	vst v63  }
0x37: {  	_ =	swait.ge [sflag:s12], $0x80  }
0x38: {  	[sflag:s12] =	ssyncset.done $0x0  }
0x39: {  	s31 =	sadd.s32 s19, s10;
	[sflag:s12] =	ssyncadd.s32 $0xFFFFFF80  }
0x3a: {  	[tilespmem:s14], [sflag:$0x2] =	stream.linear.gather [hbm4b:s31+s3], $0x80, $0x38;
	[tilespmem:$0x17D00] =	vst v63  }
0x3b: {  	_ =	swait.ge [sflag:s12], $0x80  }
0x3c: {  	[sflag:s12] =	ssyncset.done $0x0  }
0x3d: {  	[sflag:s12] =	ssyncadd.s32 $0xFFFFFF80  }
0x3e: {  	[tilespmem:s16], [sflag:$0x1] =	stream.indirect.gather [hbm4b:s4+s15], $0x80, s13, s15, $0xb8;
	[tilespmem:$0x17D00] =	vst v63  }
0x3f: {  	_ =	swait.ge [sflag:s17], $0x4000  }
0x40: {  	[sflag:s17] =	ssyncset.done $0x0  }
0x41: {  	[sflag:s17] =	ssyncadd.s32 $0xFFFFC000  }
0x42: {  	[spmem:s1] =	stream.indirect.scatter.add.f32 [tilespmem:s16], [sflag:$0x2], $0x80, s14, s15, $0xb8;
	[tilespmem:$0x17D00] =	vst v63  }
0x43: {  	_ =	swait.ge [sflag:s12], $0x4000  }
0x44: {  	s18 =	sadd.s32 $0x1, s18;
	[sflag:s12] =	ssyncset.done $0x0  }
0x45: {  	p0 =	sne.s32 s18, s8;
	[sflag:s12] =	ssyncadd.s32 $0xFFFFC000  }
.Ltmp1:
0x46: {  	[bflag:$0x0] =	sbarrier.arrive $0xFFFF;
	(pc) =	sbr.rel @p0 .LBB2_1-.Ltmp1, $4  }
0x47: {  	[hbm:s7], [sflag:s6] =	dma.local [spmem:s11], $0x2780  }
0x48: {  	_ =	swait.ge [sflag:s12], $0x2780  }
0x49: {  	[sflag:s12] =	ssyncset.done $0x0  }
0x4a: {  	[sflag:s12] =	ssyncadd.s32 $0xFFFFD880  }
0x4b: {  	_ =	sfence.sel $0x180000  }
0x4c: {  	[bflag:$0x0] =	sbarrier.arrive $0xFFFF  }
0x4d: {  	p0 =	sne.s32 s2, $0x0;
	_ =	strace $0x9000004D  }
0x4e: {  	s0 =	sadd.s32 @!p0 $0x100000, s0;
	[bflag:$0x2] =	sbarrier.arrive $0xFFFF  }
0x4f: {  	[sflag:s0] =	ssyncadd.tile.s32 @!p0 $0x1;
	_ =	shalt  }
.Lfunc_end2:
_tile_overlayer_lowered:
.L_overlay_start_2:
0x50: {  	(tag) =	ssettag $0x2  }
0x51: {  	s0 =	rddreg [dreg:$0x0];
	s2 =	stileid.u32  }
0x52: {  	s1 =	rddreg [dreg:$0x1];
	p0 =	sne.s32 s2, $0x0  }
0x53: {  	s3 =	rddreg [dreg:$0x2];
	[bflag:$0x3] =	sbarrier.arrive $0xFFFF;
	s2 =	simm.s32 @!p0 $0x1C02  }
0x54: {  	[timem:s3], [sflag:s2] =	dma.local @!p0 [hbm:s0], s1  }
0x55: {  	s0 =	simm.s32 @!p0 $0x2  }
0x56: {  	_ =	swait.ge @!p0 [sflag:s0], s1  }
0x57: {  	s1 =	ssub.s32 @!p0 $0x0, s1;
	[sflag:s0] =	ssyncset.done @!p0 $0x0  }
0x58: {  	[sflag:s0] =	ssyncadd.s32 @!p0 s1  }
0x59: {  	[bflag:$0x3] =	sbarrier.arrive $0xFFFF  }
0x5a: {  	_ =	shalt  }

// kernel: kernel.20.cloned.1.call-start
scs
__scs_entry_jumppad:
0x0: {  	(pc) =	sbr.rel $0x88, $3  }
0x1: {  	(tag) =	ssettag $0x0;
	lr =	simm.s32 $0x1  }
0x2: {  	[smem:$0x3F8F] =	sst lr;
	_ =	strace $0xD0000000  }
0x3: {  	_ = 	snop  }
0x4: {  	_ = 	snop  }
0x5: {  	_ = 	snop  }
0x6: {  	_ = 	snop  }
0x7: {  	_ = 	snop  }
__scs_overlays_trampoline_lowered:
0x8: {  	[smem:$0x3F9E] =	sst s0  }
0x9: {  	[smem:$0x3F9F] =	sst s1  }
0xa: {  	[smem:$0x3FA0] =	sst s2  }
0xb: {  	[smem:$0x3FA1] =	sst s3  }
0xc: {  	[smem:$0x3FA2] =	sst s4  }
0xd: {  	[smem:$0x3FA3] =	sst s5  }
0xe: {  	[smem:$0x3FA4] =	sst s6  }
0xf: {  	[smem:$0x3FA5] =	sst s7  }
0x10: {  	[smem:$0x3FA6] =	sst s8  }
0x11: {  	[smem:$0x3FA7] =	sst s9;
	s0 =	simm.s32 @!p0 $0x0  }
0x12: {  	s1 =	sld [smem:$0x3F8D];
	s0 =	simm.s32 @p0 $0x1  }
0x13: {  	[smem:$0x3FA8] =	sst s0;
	s0 =	simm.s32 @!p1 $0x0  }
0x14: {  	s2 =	sld [smem:$0x3F8C];
	s0 =	simm.s32 @p1 $0x1  }
0x15: {  	[smem:$0x3FA9] =	sst s0;
	s0 =	simm.s32 @!p2 $0x0  }
0x16: {  	s3 =	sld [smem:$0x3FDB];
	s0 =	simm.s32 @p2 $0x1  }
0x17: {  	s4 =	simm.s32 $0x1BF5;
	[smem:$0x3FAB] =	sst s0  }
0x18: {  	s0 =	sld [smem:$0x3F8E];
	_ =	swait.ge [sflag:s4], $0x0  }
0x19: {  	s7 =	sld [smem:$0x3F8F]  }
0x1a: {  	s8 =	sadd.s32 $0xFFFFE003, lr  }
0x1b: {  	s9 =	sadd.s32 $0xFFFFFEF7, lr;
	s5 =	simm.s32 $0xFFFFFFFF;
	p2 =	slt.u32 s8, $0xFFFFF086  }
0x1c: {  	p1 =	slt.u32 s9, $0xF7A;
	s5 =	simm.s32 @!p2 $0x0  }
0x1d: {  	s5 =	simm.s32 @p1 $0x1;
	p0 =	seq.s32 s7, s2  }
0x1e: {  	s7 =	smul.u32 @!p0 $0xF7A, s2;
	p2 =	seq.s32 @!p0 s5, $0x0  }
0x1f: {  	s9 =	smul.u32 $0xF7A, s1;
	s8 =	simm.s32 @!p0 $0x1BF5;
	p2 =	por !p2, p0  }
0x20: {  	[sflag:s8] =	ssyncset.s32 @!p0 $0xFFFFF086;
	s6 =	sadd.s32 @!p0 s3, s7;
	s7 =	simm.s32 @!p0 $0x108  }
0x21: {  	s3 =	sadd.s32 s3, s9;
	s6 =	sadd.s32 @!p0 $0x88, s6;
	s7 =	simm.s32 @p2 $0x1082  }
0x22: {  	[simem:s7], [sflag:s8] =	dma.local @!p0 [hbm:s6], $0xF7A  }
0x23: {  	s9 =	sor.u32 $0xD0000000, s2;
	s6 =	simm.s32 $0x108;
	_ =	swait.ge @!p0 [sflag:s8], $0x0  }
0x24: {  	s3 =	sadd.s32 $0x88, s3;
	s6 =	simm.s32 @!p1 $0x1082;
	[sflag:s4] =	ssyncset.s32 $0xFFFFF086  }
0x25: {  	[simem:s6], [sflag:s4] =	dma.local [hbm:s3], $0xF7A  }
0x26: {  	[smem:$0x3F8F] =	sst s1;
	(tag) =	ssettag s2;
	_ =	strace s9  }
0x27: {  	s1 =	sld [smem:$0x3F9F]  }
0x28: {  	s2 =	sld [smem:$0x3FA0]  }
0x29: {  	s4 =	sld [smem:$0x3FA2]  }
0x2a: {  	p0 =	seq.s32 s5, $0x0;
	s5 =	sld [smem:$0x3FA3]  }
0x2b: {  	s6 =	sld [smem:$0x3FA4]  }
0x2c: {  	s7 =	sld [smem:$0x3FA5]  }
0x2d: {  	s3 =	simm.s32 $0x108;
	s8 =	sld [smem:$0x3FA6]  }
0x2e: {  	s3 =	simm.s32 @!p0 $0x1082;
	s9 =	sld [smem:$0x3FA7]  }
0x2f: {  	lr =	sadd.s32 s0, s3;
	s0 =	sld [smem:$0x3F9E]  }
0x30: {  	s3 =	sld [smem:$0x3FA1]  }
0x31: {  	[smem:$0x3FAA] =	sst s10  }
0x32: {  	s10 =	sld [smem:$0x3FA8];
	_ =	sdelay $0x3  }
0x33: {  	p0 =	seq.s32 s10, $0x1;
	s10 =	sld [smem:$0x3FAA];
	_ =	sdelay $0x3  }
0x34: {  	[smem:$0x3FAA] =	sst s10  }
0x35: {  	s10 =	sld [smem:$0x3FA9];
	_ =	sdelay $0x3  }
0x36: {  	p1 =	seq.s32 s10, $0x1;
	s10 =	sld [smem:$0x3FAA];
	_ =	sdelay $0x3  }
0x37: {  	[smem:$0x3FAA] =	sst s10  }
0x38: {  	s10 =	sld [smem:$0x3FAB]  }
0x39: {  	_ = 	snop;
	(pc) =	sbr.ind lr, $3  }
0x3a: {  	_ = 	snop  }
0x3b: {  	_ = 	snop  }
0x3c: {  	p2 =	seq.s32 s10, $0x1;
	s10 =	sld [smem:$0x3FAA]  }
0x3d: {  	_ =	shalt  }
0x3e: {  	_ =	shalt  }
0x3f: {  	_ =	shalt  }
0x40: {  	_ =	shalt  }
0x41: {  	_ =	shalt  }
0x42: {  	_ =	shalt  }
0x43: {  	_ =	shalt  }
0x44: {  	_ =	shalt  }
0x45: {  	_ =	shalt  }
0x46: {  	_ =	shalt  }
0x47: {  	_ =	shalt  }
0x48: {  	_ =	shalt  }
0x49: {  	_ =	shalt  }
0x4a: {  	_ =	shalt  }
0x4b: {  	_ =	shalt  }
0x4c: {  	_ =	shalt  }
0x4d: {  	_ =	shalt  }
0x4e: {  	_ =	shalt  }
0x4f: {  	_ =	shalt  }
0x50: {  	_ =	shalt  }
0x51: {  	_ =	shalt  }
0x52: {  	_ =	shalt  }
0x53: {  	_ =	shalt  }
0x54: {  	_ =	shalt  }
0x55: {  	_ =	shalt  }
0x56: {  	_ =	shalt  }
0x57: {  	_ =	shalt  }
0x58: {  	_ =	shalt  }
0x59: {  	_ =	shalt  }
0x5a: {  	_ =	shalt  }
0x5b: {  	_ =	shalt  }
0x5c: {  	_ =	shalt  }
0x5d: {  	_ =	shalt  }
0x5e: {  	_ =	shalt  }
0x5f: {  	_ =	shalt  }
0x60: {  	_ =	shalt  }
0x61: {  	_ =	shalt  }
0x62: {  	_ =	shalt  }
0x63: {  	_ =	shalt  }
0x64: {  	_ =	shalt  }
0x65: {  	_ =	shalt  }
0x66: {  	_ =	shalt  }
0x67: {  	_ =	shalt  }
0x68: {  	_ =	shalt  }
0x69: {  	_ =	shalt  }
0x6a: {  	_ =	shalt  }
0x6b: {  	_ =	shalt  }
0x6c: {  	_ =	shalt  }
0x6d: {  	_ =	shalt  }
0x6e: {  	_ =	shalt  }
0x6f: {  	_ =	shalt  }
0x70: {  	_ =	shalt  }
0x71: {  	_ =	shalt  }
0x72: {  	_ =	shalt  }
0x73: {  	_ =	shalt  }
0x74: {  	_ =	shalt  }
0x75: {  	_ =	shalt  }
0x76: {  	_ =	shalt  }
0x77: {  	_ =	shalt  }
0x78: {  	_ =	shalt  }
0x79: {  	_ =	shalt  }
0x7a: {  	_ =	shalt  }
0x7b: {  	_ =	shalt  }
0x7c: {  	_ =	shalt  }
0x7d: {  	_ =	shalt  }
0x7e: {  	_ =	shalt  }
0x7f: {  	_ =	shalt  }
0x80: {  	_ =	shalt  }
0x81: {  	_ =	shalt  }
0x82: {  	_ =	shalt  }
0x83: {  	_ =	shalt  }
0x84: {  	_ =	shalt  }
0x85: {  	_ =	shalt  }
0x86: {  	_ =	shalt  }
0x87: {  	_ =	shalt  }
.Lfunc_end0:
.L_simem_size_0:
called_computation.3_lowered:
.L_overlay_start_0:
0x88: {  	s2 =	sld [smem:$0x3FD9]  }
0x89: {  	s3 =	sld [smem:$0x3FFE];
	_ =	sdelay $0x1  }
0x8a: {  	s1 =	srdreg.scid  }
0x8b: {  	s0 =	sand.u32 $0x1, s1  }
0x8c: {  	s17 =	sshll.u32 s0, $0xA;
	s2 =	sadd.s32 s3, s2  }
0x8d: {  	s2 =	sadd.s32 s2, s17  }
0x8e: {  	[smem:$0x3FB6] =	sst s2  }
0x8f: {  	_ = 	snop  }
0x90: {  	s2 =	sld [smem:$0x3FD0];
	(tm) =	ssettm $0x1  }
0x91: {  	s18 =	sld [smem:$0x3FFB];
	_ =	sdelay $0x3  }
0x92: {  	_ =	strace s18  }
0x93: {  	s3 =	sld [smem:$0x3FFC];
	_ =	sdelay $0x3  }
0x94: {  	_ =	strace s3  }
0x95: {  	s3 =	sld [smem:$0x3FFD];
	_ =	sdelay $0x3  }
0x96: {  	_ =	strace s3  }
0x97: {  	_ =	strace $0x8FFFFFFF  }
0x98: {  	s19 =	sld [smem:$0x3FDB];
	_ =	sdelay $0x1  }
0x99: {  	s4 =	simm.s32 $_scs_section_size  }
0x9a: {  	s5 =	simm.s32 $_size__tile_overlayer_lowered;
	s6 =	simm.s32 $_tile_overlayer_lowered  }
0x9b: {  	s22 =	simm.s32 $0x1BFF;
	s21 =	sshll.u32 s6, $0x1;
	s3 =	sadd.s32 s4, s19  }
0x9c: {  	s7 =	simm.s32 $0x0;
	s20 =	sshll.u32 s5, $0x1;
	s5 =	sadd.s32 s21, s3  }
0x9d: {  	[timem:s7], [sflag:s22] =	dma.local [hbm:s5], s20  }
0x9e: {  	_ =	swait.ge [sflag:s22], s20  }
0x9f: {  	s4 =	ssub.s32 $0x0, s20;
	[sflag:s22] =	ssyncset.done $0x0  }
0xa0: {  	[sflag:s22] =	ssyncadd.s32 s4;
	_ =	sdelay $0x1  }
0xa1: {  	s23 =	simm.s32 $0x1B8B  }
0xa2: {  	_ =	swait.ge [sflag:s23], $0x1  }
0xa3: {  	[sflag:s23] =	ssyncset.done $0x0  }
0xa4: {  	s25 =	simm.s32 $0x1B8E;
	s24 =	sld [smem:$0x3FFE];
	[sflag:s23] =	ssyncadd.s32 $0xFFFFFFFF  }
0xa5: {  	s26 =	simm.s32 $execute0_lowered;
	[smem:$0x3FD2] =	sst s25  }
0xa6: {  	s5 =	sshll.u32 s26, $0x1;
	_ =	strace $0x8000004F;
	[dreg:$0x1] =	wrdreg $0xFFFFFFFF  }
0xa7: {  	s28 =	simm.s32 $_size_execute0_lowered;
	s3 =	sadd.s32 s3, s5;
	[dreg:$0x0] =	wrdreg $0x0  }
0xa8: {  	s5 =	sshll.u32 s28, $0x1;
	[dreg:$0x2] =	wrdreg s3  }
0xa9: {  	[dreg:$0x3] =	wrdreg s5  }
0xaa: {  	[dreg:$0x4] =	wrdreg $0xC0  }
0xab: {  	_ =	task [dreg:s7], $0x5FFFF  }
0xac: {  	[dreg:$0x1] =	wrdreg $0xFFFFFFFF  }
0xad: {  	[dreg:$0x0] =	wrdreg $0x60  }
0xae: {  	[dreg:$0x2] =	wrdreg s24  }
0xaf: {  	[dreg:$0x3] =	wrdreg s2  }
0xb0: {  	[dreg:$0x4] =	wrdreg $0x0  }
0xb1: {  	[dreg:$0x5] =	wrdreg $0x9  }
0xb2: {  	_ =	task.clear_ibuf [dreg:s7], $0x6FFFF;
	_ =	strace $0x9000004F  }
0xb3: {  	s29 =	simm.s32 $0x9;
	_ =	strace $0x80000051  }
0xb4: {  	_ =	swait.ge [sflag:s29], $0x1  }
0xb5: {  	[sflag:s29] =	ssyncadd.s32 $0xFFFFFFFF  }
0xb6: {  	_ =	strace $0x90000051  }
0xb7: {  	_ =	sfence  }
0xb8: {  	s30 =	sld [smem:$0x0];
	_ =	sdelay $0x2  }
0xb9: {  	s31 =	sshll.u32 s1, $0xD;
	s1 =	sshrl.u32 s1, $0x2  }
0xba: {  	s3 =	sand.u32 $0x4000, s31;
	s1 =	sadd.s32 s1, s30  }
0xbb: {  	s0 =	sor.u32 s3, s0;
	s1 =	sshll.u32 s1, $0x11  }
0xbc: {  	s0 =	sor.u32 s1, s0  }
0xbd: {  	s0 =	sadd.s32 $0x8F2B, s0  }
0xbe: {  	[sflag:s0] =	ssyncadd.remote.s32 $0x1  }
0xbf: {  	_ =	sfence.sel $0xFFFF  }
0xc0: {  	[dreg:$0x0] =	wrdreg $0xFFFFFFFF;
	(pc) =	sbr.abs _section_cstart, $3  }
0xc1: {  	[dreg:$0x1] =	wrdreg $0xFFFFFFFF  }
0xc2: {  	_ =	task.clear_ibuf [dreg:s7], $0x2FFFF;
	_ =	strace $0x9FFFFFFF  }
0xc3: {  	(tm) =	ssettm $0x7FFFFFFF  }
tec
execute0_lowered:
.L_overlay_start_1:
0x0: {  	(tag) =	ssettag $0x1  }
0x1: {  	s6 =	rddreg [dreg:$0x0]  }
0x2: {  	s8 =	rddreg [dreg:$0x1];
	s0 =	srdreg.scid  }
0x3: {  	s1 =	rddreg [dreg:$0x2];
	s3 =	simm.s32 $0x0;
	s2 =	stileid.u32  }
0x4: {  	s14 =	simm.s32 $0x13C80;
	s15 =	simm.s32 $0x80;
	s10 =	smul.u32 $0x13C00, s2  }
0x5: {  	s16 =	simm.s32 $0x13D00;
	s17 =	simm.s32 $0x1;
	s12 =	smul.u32 $0x4F000, s2  }
0x6: {  	s5 =	sand.u32 $0x1, s0;
	s0 =	rddreg [dreg:$0x3];
	s30 =	smul.u32 $0x4F0, s2  }
0x7: {  	s18 =	simm.s32 $0x0;
	[smem:$0x7FF] =	sst s3;
	s9 =	smul.u32 $0x4F00, s5  }
0x8: {  	s4 =	sadd.s32 $0x12200, s6;
	s29 =	sshll.u32 s2, $0x6;
	s7 =	smul.u32 $0x13C000, s5  }
0x9: {  	_ =	strace $0x80000050;
	s26 =	ssub.s32 $0x2, s5;
	s5 =	sadd.s32 $0xFA00, s6  }
0xa: {  	s13 =	sshrl.u32 s26, $0x1;
	s28 =	sshrl.u32 s12, $0x2;
	s11 =	sadd.s32 s9, s6  }
0xb: {  	s7 =	sadd.s32 s10, s7;
	s10 =	ssub.s32 s26, s13;
	s12 =	sadd.s32 s28, s1  }
0xc: {  	s9 =	sadd.s32 s9, s8;
	s13 =	simm.s32 $0x13C00;
	s7 =	sshrl.u32 s7, $0x3  }
0xd: {  	s8 =	smax.u32 s10, $0x1;
	s9 =	sadd.s32 s30, s9;
	s31 =	sadd.s32 s30, s11  }
0xe: {  	s11 =	sshrl.u32 s12, $0x3;
	s12 =	simm.s32 $0x2;
	s7 =	sadd.s32 s7, s6  }
0xf: {  	s6 =	sor.u32 $0x1C02, s29;
	s10 =	sadd.s32 $0x5400, s31;
	s7 =	sadd.s32 $0x39A00, s7  }
.LBB2_1:
0x10: {  	[spmem:s11], [sflag:s6] =	dma.local [hbm:s5], $0x2780  }
0x11: {  	_ =	swait.ge [sflag:s12], $0x2780  }
0x12: {  	[sflag:s12] =	ssyncset.done $0x0  }
0x13: {  	[sflag:s12] =	ssyncadd.s32 $0xFFFFD880  }
0x14: {  	s19 =	sadd.s32 $0x0, s9;
	[bflag:$0x0] =	sbarrier.arrive $0xFFFF  }
0x15: {  	[tilespmem:s13], [sflag:$0x2] =	stream.linear.gather [hbm4b:s19+s3], $0x80, $0x38;
	[tilespmem:$0x17D00] =	vst v63  }
0x16: {  	_ =	swait.ge [sflag:s12], $0x80  }
0x17: {  	[sflag:s12] =	ssyncset.done $0x0  }
0x18: {  	s31 =	sadd.s32 $0x0, s10;
	[sflag:s12] =	ssyncadd.s32 $0xFFFFFF80  }
0x19: {  	[tilespmem:s14], [sflag:$0x2] =	stream.linear.gather [hbm4b:s31+s3], $0x80, $0x38;
	[tilespmem:$0x17D00] =	vst v63  }
0x1a: {  	_ =	swait.ge [sflag:s12], $0x80  }
0x1b: {  	[sflag:s12] =	ssyncset.done $0x0  }
0x1c: {  	[sflag:s12] =	ssyncadd.s32 $0xFFFFFF80  }
0x1d: {  	[tilespmem:s16], [sflag:$0x1] =	stream.indirect.gather [hbm4b:s4+s15], $0x80, s13, s15, $0xb8;
	[tilespmem:$0x17D00] =	vst v63  }
0x1e: {  	_ =	swait.ge [sflag:s17], $0x4000  }
0x1f: {  	[sflag:s17] =	ssyncset.done $0x0  }
0x20: {  	[sflag:s17] =	ssyncadd.s32 $0xFFFFC000  }
0x21: {  	[spmem:s1] =	stream.indirect.scatter.add.f32 [tilespmem:s16], [sflag:$0x2], $0x80, s14, s15, $0xb8;
	[tilespmem:$0x17D00] =	vst v63  }
0x22: {  	_ =	swait.ge [sflag:s12], $0x4000  }
0x23: {  	s20 =	simm.s32 $0x20;
	s19 =	simm.s32 $0x10;
	[sflag:s12] =	ssyncset.done $0x0  }
.LBB2_2:
0x24: {  	s21 =	sadd.s32 s19, s9  }
0x25: {  	[sflag:s12] =	ssyncadd.s32 $0xFFFFC000;
	s22 =	smov.u32 s20;
	s23 =	sadd.s32 $0x10, s20  }
0x26: {  	[tilespmem:s13], [sflag:$0x2] =	stream.linear.gather [hbm4b:s21+s3], $0x80, $0x38;
	[tilespmem:$0x17D00] =	vst v63  }
0x27: {  	p0 =	sne.s32 s20, $0x4E0;
	_ =	swait.ge [sflag:s12], $0x80  }
0x28: {  	[sflag:s12] =	ssyncset.done $0x0  }
0x29: {  	s20 =	sadd.s32 s19, s10;
	s19 =	smov.u32 s22;
	[sflag:s12] =	ssyncadd.s32 $0xFFFFFF80  }
0x2a: {  	[tilespmem:s14], [sflag:$0x2] =	stream.linear.gather [hbm4b:s20+s3], $0x80, $0x38;
	[tilespmem:$0x17D00] =	vst v63  }
0x2b: {  	_ =	swait.ge [sflag:s12], $0x80  }
0x2c: {  	[sflag:s12] =	ssyncset.done $0x0  }
0x2d: {  	[sflag:s12] =	ssyncadd.s32 $0xFFFFFF80  }
0x2e: {  	[tilespmem:s16], [sflag:$0x1] =	stream.indirect.gather [hbm4b:s4+s15], $0x80, s13, s15, $0xb8;
	[tilespmem:$0x17D00] =	vst v63  }
0x2f: {  	_ =	swait.ge [sflag:s17], $0x4000  }
.Ltmp0:
0x30: {  	[sflag:s17] =	ssyncset.done $0x0;
	(pc) =	sbr.rel @p0 .LBB2_2-.Ltmp0, $4  }
0x31: {  	[sflag:s17] =	ssyncadd.s32 $0xFFFFC000  }
0x32: {  	[spmem:s1] =	stream.indirect.scatter.add.f32 [tilespmem:s16], [sflag:$0x2], $0x80, s14, s15, $0xb8;
	[tilespmem:$0x17D00] =	vst v63  }
0x33: {  	_ =	swait.ge [sflag:s12], $0x4000  }
0x34: {  	s20 =	smov.u32 s23;
	[sflag:s12] =	ssyncset.done $0x0  }
0x35: {  	s20 =	sadd.s32 s19, s9;
	[sflag:s12] =	ssyncadd.s32 $0xFFFFC000  }
0x36: {  	[tilespmem:s13], [sflag:$0x2] =	stream.linear.gather [hbm4b:s20+s3], $0x80, $0x38;
	[tilespmem:$0x17D00] =	vst v63  }
0x37: {  	_ =	swait.ge [sflag:s12], $0x80  }
0x38: {  	[sflag:s12] =	ssyncset.done $0x0  }
0x39: {  	s31 =	sadd.s32 s19, s10;
	[sflag:s12] =	ssyncadd.s32 $0xFFFFFF80  }
0x3a: {  	[tilespmem:s14], [sflag:$0x2] =	stream.linear.gather [hbm4b:s31+s3], $0x80, $0x38;
	[tilespmem:$0x17D00] =	vst v63  }
0x3b: {  	_ =	swait.ge [sflag:s12], $0x80  }
0x3c: {  	[sflag:s12] =	ssyncset.done $0x0  }
0x3d: {  	[sflag:s12] =	ssyncadd.s32 $0xFFFFFF80  }
0x3e: {  	[tilespmem:s16], [sflag:$0x1] =	stream.indirect.gather [hbm4b:s4+s15], $0x80, s13, s15, $0xb8;
	[tilespmem:$0x17D00] =	vst v63  }
0x3f: {  	_ =	swait.ge [sflag:s17], $0x4000  }
0x40: {  	[sflag:s17] =	ssyncset.done $0x0  }
0x41: {  	[sflag:s17] =	ssyncadd.s32 $0xFFFFC000  }
0x42: {  	[spmem:s1] =	stream.indirect.scatter.add.f32 [tilespmem:s16], [sflag:$0x2], $0x80, s14, s15, $0xb8;
	[tilespmem:$0x17D00] =	vst v63  }
0x43: {  	_ =	swait.ge [sflag:s12], $0x4000  }
0x44: {  	s18 =	sadd.s32 $0x1, s18;
	[sflag:s12] =	ssyncset.done $0x0  }
0x45: {  	p0 =	sne.s32 s18, s8;
	[sflag:s12] =	ssyncadd.s32 $0xFFFFC000  }
.Ltmp1:
0x46: {  	[bflag:$0x0] =	sbarrier.arrive $0xFFFF;
	(pc) =	sbr.rel @p0 .LBB2_1-.Ltmp1, $4  }
0x47: {  	[hbm:s7], [sflag:s6] =	dma.local [spmem:s11], $0x2780  }
0x48: {  	_ =	swait.ge [sflag:s12], $0x2780  }
0x49: {  	[sflag:s12] =	ssyncset.done $0x0  }
0x4a: {  	[sflag:s12] =	ssyncadd.s32 $0xFFFFD880  }
0x4b: {  	_ =	sfence.sel $0x180000  }
0x4c: {  	[bflag:$0x0] =	sbarrier.arrive $0xFFFF  }
0x4d: {  	p0 =	sne.s32 s2, $0x0;
	_ =	strace $0x90000050  }
0x4e: {  	s0 =	sadd.s32 @!p0 $0x100000, s0;
	[bflag:$0x2] =	sbarrier.arrive $0xFFFF  }
0x4f: {  	[sflag:s0] =	ssyncadd.tile.s32 @!p0 $0x1;
	_ =	shalt  }
.Lfunc_end2:
_tile_overlayer_lowered:
.L_overlay_start_2:
0x50: {  	(tag) =	ssettag $0x2  }
0x51: {  	s0 =	rddreg [dreg:$0x0];
	s2 =	stileid.u32  }
0x52: {  	s1 =	rddreg [dreg:$0x1];
	p0 =	sne.s32 s2, $0x0  }
0x53: {  	s3 =	rddreg [dreg:$0x2];
	[bflag:$0x3] =	sbarrier.arrive $0xFFFF;
	s2 =	simm.s32 @!p0 $0x1C02  }
0x54: {  	[timem:s3], [sflag:s2] =	dma.local @!p0 [hbm:s0], s1  }
0x55: {  	s0 =	simm.s32 @!p0 $0x2  }
0x56: {  	_ =	swait.ge @!p0 [sflag:s0], s1  }
0x57: {  	s1 =	ssub.s32 @!p0 $0x0, s1;
	[sflag:s0] =	ssyncset.done @!p0 $0x0  }
0x58: {  	[sflag:s0] =	ssyncadd.s32 @!p0 s1  }
0x59: {  	[bflag:$0x3] =	sbarrier.arrive $0xFFFF  }
0x5a: {  	_ =	shalt  }

// kernel: kernel.23.cloned.1.call-start
scs
__scs_entry_jumppad:
0x0: {  	(pc) =	sbr.rel $0x88, $3  }
0x1: {  	(tag) =	ssettag $0x0;
	lr =	simm.s32 $0x1  }
0x2: {  	[smem:$0x3F8F] =	sst lr;
	_ =	strace $0xD0000000  }
0x3: {  	_ = 	snop  }
0x4: {  	_ = 	snop  }
0x5: {  	_ = 	snop  }
0x6: {  	_ = 	snop  }
0x7: {  	_ = 	snop  }
__scs_overlays_trampoline_lowered:
0x8: {  	[smem:$0x3F9E] =	sst s0  }
0x9: {  	[smem:$0x3F9F] =	sst s1  }
0xa: {  	[smem:$0x3FA0] =	sst s2  }
0xb: {  	[smem:$0x3FA1] =	sst s3  }
0xc: {  	[smem:$0x3FA2] =	sst s4  }
0xd: {  	[smem:$0x3FA3] =	sst s5  }
0xe: {  	[smem:$0x3FA4] =	sst s6  }
0xf: {  	[smem:$0x3FA5] =	sst s7  }
0x10: {  	[smem:$0x3FA6] =	sst s8  }
0x11: {  	[smem:$0x3FA7] =	sst s9;
	s0 =	simm.s32 @!p0 $0x0  }
0x12: {  	s1 =	sld [smem:$0x3F8D];
	s0 =	simm.s32 @p0 $0x1  }
0x13: {  	[smem:$0x3FA8] =	sst s0;
	s0 =	simm.s32 @!p1 $0x0  }
0x14: {  	s2 =	sld [smem:$0x3F8C];
	s0 =	simm.s32 @p1 $0x1  }
0x15: {  	[smem:$0x3FA9] =	sst s0;
	s0 =	simm.s32 @!p2 $0x0  }
0x16: {  	s3 =	sld [smem:$0x3FDB];
	s0 =	simm.s32 @p2 $0x1  }
0x17: {  	s4 =	simm.s32 $0x1BF5;
	[smem:$0x3FAB] =	sst s0  }
0x18: {  	s0 =	sld [smem:$0x3F8E];
	_ =	swait.ge [sflag:s4], $0x0  }
0x19: {  	s7 =	sld [smem:$0x3F8F]  }
0x1a: {  	s8 =	sadd.s32 $0xFFFFE003, lr  }
0x1b: {  	s9 =	sadd.s32 $0xFFFFFEF7, lr;
	s5 =	simm.s32 $0xFFFFFFFF;
	p2 =	slt.u32 s8, $0xFFFFF086  }
0x1c: {  	p1 =	slt.u32 s9, $0xF7A;
	s5 =	simm.s32 @!p2 $0x0  }
0x1d: {  	s5 =	simm.s32 @p1 $0x1;
	p0 =	seq.s32 s7, s2  }
0x1e: {  	s7 =	smul.u32 @!p0 $0xF7A, s2;
	p2 =	seq.s32 @!p0 s5, $0x0  }
0x1f: {  	s9 =	smul.u32 $0xF7A, s1;
	s8 =	simm.s32 @!p0 $0x1BF5;
	p2 =	por !p2, p0  }
0x20: {  	[sflag:s8] =	ssyncset.s32 @!p0 $0xFFFFF086;
	s6 =	sadd.s32 @!p0 s3, s7;
	s7 =	simm.s32 @!p0 $0x108  }
0x21: {  	s3 =	sadd.s32 s3, s9;
	s6 =	sadd.s32 @!p0 $0x88, s6;
	s7 =	simm.s32 @p2 $0x1082  }
0x22: {  	[simem:s7], [sflag:s8] =	dma.local @!p0 [hbm:s6], $0xF7A  }
0x23: {  	s9 =	sor.u32 $0xD0000000, s2;
	s6 =	simm.s32 $0x108;
	_ =	swait.ge @!p0 [sflag:s8], $0x0  }
0x24: {  	s3 =	sadd.s32 $0x88, s3;
	s6 =	simm.s32 @!p1 $0x1082;
	[sflag:s4] =	ssyncset.s32 $0xFFFFF086  }
0x25: {  	[simem:s6], [sflag:s4] =	dma.local [hbm:s3], $0xF7A  }
0x26: {  	[smem:$0x3F8F] =	sst s1;
	(tag) =	ssettag s2;
	_ =	strace s9  }
0x27: {  	s1 =	sld [smem:$0x3F9F]  }
0x28: {  	s2 =	sld [smem:$0x3FA0]  }
0x29: {  	s4 =	sld [smem:$0x3FA2]  }
0x2a: {  	p0 =	seq.s32 s5, $0x0;
	s5 =	sld [smem:$0x3FA3]  }
0x2b: {  	s6 =	sld [smem:$0x3FA4]  }
0x2c: {  	s7 =	sld [smem:$0x3FA5]  }
0x2d: {  	s3 =	simm.s32 $0x108;
	s8 =	sld [smem:$0x3FA6]  }
0x2e: {  	s3 =	simm.s32 @!p0 $0x1082;
	s9 =	sld [smem:$0x3FA7]  }
0x2f: {  	lr =	sadd.s32 s0, s3;
	s0 =	sld [smem:$0x3F9E]  }
0x30: {  	s3 =	sld [smem:$0x3FA1]  }
0x31: {  	[smem:$0x3FAA] =	sst s10  }
0x32: {  	s10 =	sld [smem:$0x3FA8];
	_ =	sdelay $0x3  }
0x33: {  	p0 =	seq.s32 s10, $0x1;
	s10 =	sld [smem:$0x3FAA];
	_ =	sdelay $0x3  }
0x34: {  	[smem:$0x3FAA] =	sst s10  }
0x35: {  	s10 =	sld [smem:$0x3FA9];
	_ =	sdelay $0x3  }
0x36: {  	p1 =	seq.s32 s10, $0x1;
	s10 =	sld [smem:$0x3FAA];
	_ =	sdelay $0x3  }
0x37: {  	[smem:$0x3FAA] =	sst s10  }
0x38: {  	s10 =	sld [smem:$0x3FAB]  }
0x39: {  	_ = 	snop;
	(pc) =	sbr.ind lr, $3  }
0x3a: {  	_ = 	snop  }
0x3b: {  	_ = 	snop  }
0x3c: {  	p2 =	seq.s32 s10, $0x1;
	s10 =	sld [smem:$0x3FAA]  }
0x3d: {  	_ =	shalt  }
0x3e: {  	_ =	shalt  }
0x3f: {  	_ =	shalt  }
0x40: {  	_ =	shalt  }
0x41: {  	_ =	shalt  }
0x42: {  	_ =	shalt  }
0x43: {  	_ =	shalt  }
0x44: {  	_ =	shalt  }
0x45: {  	_ =	shalt  }
0x46: {  	_ =	shalt  }
0x47: {  	_ =	shalt  }
0x48: {  	_ =	shalt  }
0x49: {  	_ =	shalt  }
0x4a: {  	_ =	shalt  }
0x4b: {  	_ =	shalt  }
0x4c: {  	_ =	shalt  }
0x4d: {  	_ =	shalt  }
0x4e: {  	_ =	shalt  }
0x4f: {  	_ =	shalt  }
0x50: {  	_ =	shalt  }
0x51: {  	_ =	shalt  }
0x52: {  	_ =	shalt  }
0x53: {  	_ =	shalt  }
0x54: {  	_ =	shalt  }
0x55: {  	_ =	shalt  }
0x56: {  	_ =	shalt  }
0x57: {  	_ =	shalt  }
0x58: {  	_ =	shalt  }
0x59: {  	_ =	shalt  }
0x5a: {  	_ =	shalt  }
0x5b: {  	_ =	shalt  }
0x5c: {  	_ =	shalt  }
0x5d: {  	_ =	shalt  }
0x5e: {  	_ =	shalt  }
0x5f: {  	_ =	shalt  }
0x60: {  	_ =	shalt  }
0x61: {  	_ =	shalt  }
0x62: {  	_ =	shalt  }
0x63: {  	_ =	shalt  }
0x64: {  	_ =	shalt  }
0x65: {  	_ =	shalt  }
0x66: {  	_ =	shalt  }
0x67: {  	_ =	shalt  }
0x68: {  	_ =	shalt  }
0x69: {  	_ =	shalt  }
0x6a: {  	_ =	shalt  }
0x6b: {  	_ =	shalt  }
0x6c: {  	_ =	shalt  }
0x6d: {  	_ =	shalt  }
0x6e: {  	_ =	shalt  }
0x6f: {  	_ =	shalt  }
0x70: {  	_ =	shalt  }
0x71: {  	_ =	shalt  }
0x72: {  	_ =	shalt  }
0x73: {  	_ =	shalt  }
0x74: {  	_ =	shalt  }
0x75: {  	_ =	shalt  }
0x76: {  	_ =	shalt  }
0x77: {  	_ =	shalt  }
0x78: {  	_ =	shalt  }
0x79: {  	_ =	shalt  }
0x7a: {  	_ =	shalt  }
0x7b: {  	_ =	shalt  }
0x7c: {  	_ =	shalt  }
0x7d: {  	_ =	shalt  }
0x7e: {  	_ =	shalt  }
0x7f: {  	_ =	shalt  }
0x80: {  	_ =	shalt  }
0x81: {  	_ =	shalt  }
0x82: {  	_ =	shalt  }
0x83: {  	_ =	shalt  }
0x84: {  	_ =	shalt  }
0x85: {  	_ =	shalt  }
0x86: {  	_ =	shalt  }
0x87: {  	_ =	shalt  }
.Lfunc_end0:
.L_simem_size_0:
called_computation.4_lowered:
.L_overlay_start_0:
0x88: {  	s2 =	sld [smem:$0x3FD9]  }
0x89: {  	s3 =	sld [smem:$0x3FFE];
	_ =	sdelay $0x1  }
0x8a: {  	s1 =	srdreg.scid  }
0x8b: {  	s0 =	sand.u32 $0x1, s1  }
0x8c: {  	s17 =	sshll.u32 s0, $0xA;
	s2 =	sadd.s32 s3, s2  }
0x8d: {  	s2 =	sadd.s32 s2, s17  }
0x8e: {  	[smem:$0x3FB6] =	sst s2  }
0x8f: {  	_ = 	snop  }
0x90: {  	s2 =	sld [smem:$0x3FD0];
	(tm) =	ssettm $0x1  }
0x91: {  	s18 =	sld [smem:$0x3FFB];
	_ =	sdelay $0x3  }
0x92: {  	_ =	strace s18  }
0x93: {  	s3 =	sld [smem:$0x3FFC];
	_ =	sdelay $0x3  }
0x94: {  	_ =	strace s3  }
0x95: {  	s3 =	sld [smem:$0x3FFD];
	_ =	sdelay $0x3  }
0x96: {  	_ =	strace s3  }
0x97: {  	_ =	strace $0x8FFFFFFF  }
0x98: {  	s19 =	sld [smem:$0x3FDB];
	_ =	sdelay $0x1  }
0x99: {  	s4 =	simm.s32 $_scs_section_size  }
0x9a: {  	s5 =	simm.s32 $_size__tile_overlayer_lowered;
	s6 =	simm.s32 $_tile_overlayer_lowered  }
0x9b: {  	s22 =	simm.s32 $0x1BFF;
	s21 =	sshll.u32 s6, $0x1;
	s3 =	sadd.s32 s4, s19  }
0x9c: {  	s7 =	simm.s32 $0x0;
	s20 =	sshll.u32 s5, $0x1;
	s5 =	sadd.s32 s21, s3  }
0x9d: {  	[timem:s7], [sflag:s22] =	dma.local [hbm:s5], s20  }
0x9e: {  	_ =	swait.ge [sflag:s22], s20  }
0x9f: {  	s4 =	ssub.s32 $0x0, s20;
	[sflag:s22] =	ssyncset.done $0x0  }
0xa0: {  	[sflag:s22] =	ssyncadd.s32 s4;
	_ =	sdelay $0x1  }
0xa1: {  	s23 =	simm.s32 $0x1B8B  }
0xa2: {  	_ =	swait.ge [sflag:s23], $0x1  }
0xa3: {  	[sflag:s23] =	ssyncset.done $0x0  }
0xa4: {  	s25 =	simm.s32 $0x1B8E;
	s24 =	sld [smem:$0x3FFE];
	[sflag:s23] =	ssyncadd.s32 $0xFFFFFFFF  }
0xa5: {  	s26 =	simm.s32 $execute0_lowered;
	[smem:$0x3FD2] =	sst s25  }
0xa6: {  	s5 =	sshll.u32 s26, $0x1;
	_ =	strace $0x80000052;
	[dreg:$0x1] =	wrdreg $0xFFFFFFFF  }
0xa7: {  	s28 =	simm.s32 $_size_execute0_lowered;
	s3 =	sadd.s32 s3, s5;
	[dreg:$0x0] =	wrdreg $0x0  }
0xa8: {  	s5 =	sshll.u32 s28, $0x1;
	[dreg:$0x2] =	wrdreg s3  }
0xa9: {  	[dreg:$0x3] =	wrdreg s5  }
0xaa: {  	[dreg:$0x4] =	wrdreg $0xC0  }
0xab: {  	_ =	task [dreg:s7], $0x5FFFF  }
0xac: {  	[dreg:$0x1] =	wrdreg $0xFFFFFFFF  }
0xad: {  	[dreg:$0x0] =	wrdreg $0x60  }
0xae: {  	[dreg:$0x2] =	wrdreg s24  }
0xaf: {  	[dreg:$0x3] =	wrdreg s2  }
0xb0: {  	[dreg:$0x4] =	wrdreg $0x0  }
0xb1: {  	[dreg:$0x5] =	wrdreg $0x9  }
0xb2: {  	_ =	task.clear_ibuf [dreg:s7], $0x6FFFF;
	_ =	strace $0x90000052  }
0xb3: {  	s29 =	simm.s32 $0x9;
	_ =	strace $0x80000054  }
0xb4: {  	_ =	swait.ge [sflag:s29], $0x1  }
0xb5: {  	[sflag:s29] =	ssyncadd.s32 $0xFFFFFFFF  }
0xb6: {  	_ =	strace $0x90000054  }
0xb7: {  	_ =	sfence  }
0xb8: {  	s30 =	sld [smem:$0x0];
	_ =	sdelay $0x2  }
0xb9: {  	s31 =	sshll.u32 s1, $0xD;
	s1 =	sshrl.u32 s1, $0x2  }
0xba: {  	s3 =	sand.u32 $0x4000, s31;
	s1 =	sadd.s32 s1, s30  }
0xbb: {  	s0 =	sor.u32 s3, s0;
	s1 =	sshll.u32 s1, $0x11  }
0xbc: {  	s0 =	sor.u32 s1, s0  }
0xbd: {  	s0 =	sadd.s32 $0x8F2B, s0  }
0xbe: {  	[sflag:s0] =	ssyncadd.remote.s32 $0x1  }
0xbf: {  	_ =	sfence.sel $0xFFFF  }
0xc0: {  	[dreg:$0x0] =	wrdreg $0xFFFFFFFF;
	(pc) =	sbr.abs _section_cstart, $3  }
0xc1: {  	[dreg:$0x1] =	wrdreg $0xFFFFFFFF  }
0xc2: {  	_ =	task.clear_ibuf [dreg:s7], $0x2FFFF;
	_ =	strace $0x9FFFFFFF  }
0xc3: {  	(tm) =	ssettm $0x7FFFFFFF  }
tec
execute0_lowered:
.L_overlay_start_1:
0x0: {  	(tag) =	ssettag $0x1  }
0x1: {  	s6 =	rddreg [dreg:$0x0]  }
0x2: {  	s8 =	rddreg [dreg:$0x1];
	s0 =	srdreg.scid  }
0x3: {  	s1 =	rddreg [dreg:$0x2];
	s3 =	simm.s32 $0x0;
	s2 =	stileid.u32  }
0x4: {  	s14 =	simm.s32 $0x13C80;
	s15 =	simm.s32 $0x80;
	s10 =	smul.u32 $0x13C00, s2  }
0x5: {  	s16 =	simm.s32 $0x13D00;
	s17 =	simm.s32 $0x1;
	s12 =	smul.u32 $0x4F000, s2  }
0x6: {  	s5 =	sand.u32 $0x1, s0;
	s0 =	rddreg [dreg:$0x3];
	s30 =	smul.u32 $0x4F0, s2  }
0x7: {  	s18 =	simm.s32 $0x0;
	[smem:$0x7FF] =	sst s3;
	s9 =	smul.u32 $0x4F00, s5  }
0x8: {  	s4 =	sadd.s32 $0x12200, s6;
	s29 =	sshll.u32 s2, $0x6;
	s7 =	smul.u32 $0x13C000, s5  }
0x9: {  	_ =	strace $0x80000053;
	s26 =	ssub.s32 $0x2, s5;
	s5 =	sadd.s32 $0xFA00, s6  }
0xa: {  	s13 =	sshrl.u32 s26, $0x1;
	s28 =	sshrl.u32 s12, $0x2;
	s11 =	sadd.s32 s9, s6  }
0xb: {  	s7 =	sadd.s32 s10, s7;
	s10 =	ssub.s32 s26, s13;
	s12 =	sadd.s32 s28, s1  }
0xc: {  	s9 =	sadd.s32 s9, s8;
	s13 =	simm.s32 $0x13C00;
	s7 =	sshrl.u32 s7, $0x3  }
0xd: {  	s8 =	smax.u32 s10, $0x1;
	s9 =	sadd.s32 s30, s9;
	s31 =	sadd.s32 s30, s11  }
0xe: {  	s11 =	sshrl.u32 s12, $0x3;
	s12 =	simm.s32 $0x2;
	s7 =	sadd.s32 s7, s6  }
0xf: {  	s6 =	sor.u32 $0x1C02, s29;
	s10 =	sadd.s32 $0x5400, s31;
	s7 =	sadd.s32 $0x39A00, s7  }
.LBB2_1:
0x10: {  	[spmem:s11], [sflag:s6] =	dma.local [hbm:s5], $0x2780  }
0x11: {  	_ =	swait.ge [sflag:s12], $0x2780  }
0x12: {  	[sflag:s12] =	ssyncset.done $0x0  }
0x13: {  	[sflag:s12] =	ssyncadd.s32 $0xFFFFD880  }
0x14: {  	s19 =	sadd.s32 $0x0, s9;
	[bflag:$0x0] =	sbarrier.arrive $0xFFFF  }
0x15: {  	[tilespmem:s13], [sflag:$0x2] =	stream.linear.gather [hbm4b:s19+s3], $0x80, $0x38;
	[tilespmem:$0x17D00] =	vst v63  }
0x16: {  	_ =	swait.ge [sflag:s12], $0x80  }
0x17: {  	[sflag:s12] =	ssyncset.done $0x0  }
0x18: {  	s31 =	sadd.s32 $0x0, s10;
	[sflag:s12] =	ssyncadd.s32 $0xFFFFFF80  }
0x19: {  	[tilespmem:s14], [sflag:$0x2] =	stream.linear.gather [hbm4b:s31+s3], $0x80, $0x38;
	[tilespmem:$0x17D00] =	vst v63  }
0x1a: {  	_ =	swait.ge [sflag:s12], $0x80  }
0x1b: {  	[sflag:s12] =	ssyncset.done $0x0  }
0x1c: {  	[sflag:s12] =	ssyncadd.s32 $0xFFFFFF80  }
0x1d: {  	[tilespmem:s16], [sflag:$0x1] =	stream.indirect.gather [hbm4b:s4+s15], $0x80, s13, s15, $0xb8;
	[tilespmem:$0x17D00] =	vst v63  }
0x1e: {  	_ =	swait.ge [sflag:s17], $0x4000  }
0x1f: {  	[sflag:s17] =	ssyncset.done $0x0  }
0x20: {  	[sflag:s17] =	ssyncadd.s32 $0xFFFFC000  }
0x21: {  	[spmem:s1] =	stream.indirect.scatter.add.f32 [tilespmem:s16], [sflag:$0x2], $0x80, s14, s15, $0xb8;
	[tilespmem:$0x17D00] =	vst v63  }
0x22: {  	_ =	swait.ge [sflag:s12], $0x4000  }
0x23: {  	s20 =	simm.s32 $0x20;
	s19 =	simm.s32 $0x10;
	[sflag:s12] =	ssyncset.done $0x0  }
.LBB2_2:
0x24: {  	s21 =	sadd.s32 s19, s9  }
0x25: {  	[sflag:s12] =	ssyncadd.s32 $0xFFFFC000;
	s22 =	smov.u32 s20;
	s23 =	sadd.s32 $0x10, s20  }
0x26: {  	[tilespmem:s13], [sflag:$0x2] =	stream.linear.gather [hbm4b:s21+s3], $0x80, $0x38;
	[tilespmem:$0x17D00] =	vst v63  }
0x27: {  	p0 =	sne.s32 s20, $0x4E0;
	_ =	swait.ge [sflag:s12], $0x80  }
0x28: {  	[sflag:s12] =	ssyncset.done $0x0  }
0x29: {  	s20 =	sadd.s32 s19, s10;
	s19 =	smov.u32 s22;
	[sflag:s12] =	ssyncadd.s32 $0xFFFFFF80  }
0x2a: {  	[tilespmem:s14], [sflag:$0x2] =	stream.linear.gather [hbm4b:s20+s3], $0x80, $0x38;
	[tilespmem:$0x17D00] =	vst v63  }
0x2b: {  	_ =	swait.ge [sflag:s12], $0x80  }
0x2c: {  	[sflag:s12] =	ssyncset.done $0x0  }
0x2d: {  	[sflag:s12] =	ssyncadd.s32 $0xFFFFFF80  }
0x2e: {  	[tilespmem:s16], [sflag:$0x1] =	stream.indirect.gather [hbm4b:s4+s15], $0x80, s13, s15, $0xb8;
	[tilespmem:$0x17D00] =	vst v63  }
0x2f: {  	_ =	swait.ge [sflag:s17], $0x4000  }
.Ltmp0:
0x30: {  	[sflag:s17] =	ssyncset.done $0x0;
	(pc) =	sbr.rel @p0 .LBB2_2-.Ltmp0, $4  }
0x31: {  	[sflag:s17] =	ssyncadd.s32 $0xFFFFC000  }
0x32: {  	[spmem:s1] =	stream.indirect.scatter.add.f32 [tilespmem:s16], [sflag:$0x2], $0x80, s14, s15, $0xb8;
	[tilespmem:$0x17D00] =	vst v63  }
0x33: {  	_ =	swait.ge [sflag:s12], $0x4000  }
0x34: {  	s20 =	smov.u32 s23;
	[sflag:s12] =	ssyncset.done $0x0  }
0x35: {  	s20 =	sadd.s32 s19, s9;
	[sflag:s12] =	ssyncadd.s32 $0xFFFFC000  }
0x36: {  	[tilespmem:s13], [sflag:$0x2] =	stream.linear.gather [hbm4b:s20+s3], $0x80, $0x38;
	[tilespmem:$0x17D00] =	vst v63  }
0x37: {  	_ =	swait.ge [sflag:s12], $0x80  }
0x38: {  	[sflag:s12] =	ssyncset.done $0x0  }
0x39: {  	s31 =	sadd.s32 s19, s10;
	[sflag:s12] =	ssyncadd.s32 $0xFFFFFF80  }
0x3a: {  	[tilespmem:s14], [sflag:$0x2] =	stream.linear.gather [hbm4b:s31+s3], $0x80, $0x38;
	[tilespmem:$0x17D00] =	vst v63  }
0x3b: {  	_ =	swait.ge [sflag:s12], $0x80  }
0x3c: {  	[sflag:s12] =	ssyncset.done $0x0  }
0x3d: {  	[sflag:s12] =	ssyncadd.s32 $0xFFFFFF80  }
0x3e: {  	[tilespmem:s16], [sflag:$0x1] =	stream.indirect.gather [hbm4b:s4+s15], $0x80, s13, s15, $0xb8;
	[tilespmem:$0x17D00] =	vst v63  }
0x3f: {  	_ =	swait.ge [sflag:s17], $0x4000  }
0x40: {  	[sflag:s17] =	ssyncset.done $0x0  }
0x41: {  	[sflag:s17] =	ssyncadd.s32 $0xFFFFC000  }
0x42: {  	[spmem:s1] =	stream.indirect.scatter.add.f32 [tilespmem:s16], [sflag:$0x2], $0x80, s14, s15, $0xb8;
	[tilespmem:$0x17D00] =	vst v63  }
0x43: {  	_ =	swait.ge [sflag:s12], $0x4000  }
0x44: {  	s18 =	sadd.s32 $0x1, s18;
	[sflag:s12] =	ssyncset.done $0x0  }
0x45: {  	p0 =	sne.s32 s18, s8;
	[sflag:s12] =	ssyncadd.s32 $0xFFFFC000  }
.Ltmp1:
0x46: {  	[bflag:$0x0] =	sbarrier.arrive $0xFFFF;
	(pc) =	sbr.rel @p0 .LBB2_1-.Ltmp1, $4  }
0x47: {  	[hbm:s7], [sflag:s6] =	dma.local [spmem:s11], $0x2780  }
0x48: {  	_ =	swait.ge [sflag:s12], $0x2780  }
0x49: {  	[sflag:s12] =	ssyncset.done $0x0  }
0x4a: {  	[sflag:s12] =	ssyncadd.s32 $0xFFFFD880  }
0x4b: {  	_ =	sfence.sel $0x180000  }
0x4c: {  	[bflag:$0x0] =	sbarrier.arrive $0xFFFF  }
0x4d: {  	p0 =	sne.s32 s2, $0x0;
	_ =	strace $0x90000053  }
0x4e: {  	s0 =	sadd.s32 @!p0 $0x100000, s0;
	[bflag:$0x2] =	sbarrier.arrive $0xFFFF  }
0x4f: {  	[sflag:s0] =	ssyncadd.tile.s32 @!p0 $0x1;
	_ =	shalt  }
.Lfunc_end2:
_tile_overlayer_lowered:
.L_overlay_start_2:
0x50: {  	(tag) =	ssettag $0x2  }
0x51: {  	s0 =	rddreg [dreg:$0x0];
	s2 =	stileid.u32  }
0x52: {  	s1 =	rddreg [dreg:$0x1];
	p0 =	sne.s32 s2, $0x0  }
0x53: {  	s3 =	rddreg [dreg:$0x2];
	[bflag:$0x3] =	sbarrier.arrive $0xFFFF;
	s2 =	simm.s32 @!p0 $0x1C02  }
0x54: {  	[timem:s3], [sflag:s2] =	dma.local @!p0 [hbm:s0], s1  }
0x55: {  	s0 =	simm.s32 @!p0 $0x2  }
0x56: {  	_ =	swait.ge @!p0 [sflag:s0], s1  }
0x57: {  	s1 =	ssub.s32 @!p0 $0x0, s1;
	[sflag:s0] =	ssyncset.done @!p0 $0x0  }
0x58: {  	[sflag:s0] =	ssyncadd.s32 @!p0 s1  }
0x59: {  	[bflag:$0x3] =	sbarrier.arrive $0xFFFF  }
0x5a: {  	_ =	shalt  }

</sc_bundles>
